<compile_context>
chip_gen: v7x
topology: tpu7x:2x2x1
jax: 0.10.2.dev20260603
libtpu: 0.0.44.dev20260713+nightly
codegen_flags: <defaults>
</compile_context>

<pallas_src>
import functools

import jax
import jax.numpy as jnp
from jax import lax
from jax.experimental import pallas as pl
from jax.experimental.pallas import tpu as pltpu
from jax.experimental.pallas import tpu_sc as plsc


def _sc_gather(tables, idx_t, n_tokens, n_slot, embed, n_workers, tok_chunk):
    per_w_tok = n_tokens // n_workers
    iters = per_w_tok // tok_chunk
    row_d = n_slot * embed
    n_tab = tables.shape[0]

    mesh = plsc.VectorSubcoreMesh(core_axis_name="c", subcore_axis_name="s")

    @functools.partial(
        pl.kernel,
        out_type=jax.ShapeDtypeStruct((n_tokens, row_d), jnp.float32),
        mesh=mesh,
        scratch_types=[
            pltpu.VMEM((n_slot, tok_chunk), jnp.int32),
            pltpu.VMEM((n_slot * tok_chunk, embed), jnp.float32),
            pltpu.SemaphoreType.DMA,
            pltpu.SemaphoreType.DMA,
        ],
        compiler_params=pltpu.CompilerParams(use_tc_tiling_on_sc=False),
    )
    def k(idx_hbm, tab_hbm, out_hbm, idx_v, rows_v, gsem, ssem):
        n_cores = 2
        wid = lax.axis_index("s") * n_cores + lax.axis_index("c")
        base_chunk = wid * iters

        def body(i, carry):
            chunk_id = base_chunk + i
            tok0 = chunk_id * tok_chunk
            pltpu.sync_copy(idx_hbm.at[pl.ds(chunk_id * n_slot, n_slot)], idx_v)

            def fire_gather(j, c):
                field = jnp.where(j < n_tab, j, j - n_tab)
                pltpu.async_copy(
                    tab_hbm.at[field].at[idx_v.at[j]],
                    rows_v.at[pl.ds(j * tok_chunk, tok_chunk)],
                    gsem,
                )
                return c

            lax.fori_loop(0, n_slot, fire_gather, 0)
            pltpu.make_async_copy(
                tab_hbm.at[0].at[pl.ds(0, n_slot * tok_chunk)], rows_v, gsem
            ).wait()

            def fire_store(j, c):
                pltpu.async_copy(
                    rows_v.at[pl.ds(j * tok_chunk, tok_chunk)],
                    out_hbm.at[pl.ds(tok0, tok_chunk), pl.ds(j * embed, embed)],
                    ssem,
                )
                return c

            lax.fori_loop(0, n_slot, fire_store, 0)
            pltpu.make_async_copy(
                tab_hbm.at[0].at[pl.ds(0, n_slot * tok_chunk)], rows_v, ssem
            ).wait()
            return carry

        lax.fori_loop(0, iters, body, 0)

    return k(idx_t, tables)


def _tc_tail(ga, gb, num2d, w_a, w_b, w_num, b_num, w_tail, b_final, block_t):
    t, da = ga.shape
    db = gb.shape[1]
    num_dim = num2d.shape[1]
    embed = w_num.shape[1]
    d_model = w_tail.shape[1]
    grid = (t // block_t,)

    def body(ga_ref, gb_ref, n_ref, wa_ref, wb_ref, wn_ref, bn_ref, wt_ref,
             bf_ref, o_ref):
        nump = (
            jnp.dot(n_ref[...], wn_ref[...], preferred_element_type=jnp.float32)
            + bn_ref[...]
        )
        o_ref[...] = (
            jnp.dot(ga_ref[...], wa_ref[...], preferred_element_type=jnp.float32)
            + jnp.dot(gb_ref[...], wb_ref[...], preferred_element_type=jnp.float32)
            + jnp.dot(nump, wt_ref[...], preferred_element_type=jnp.float32)
            + bf_ref[...]
        )

    return pl.pallas_call(
        body,
        grid=grid,
        in_specs=[
            pl.BlockSpec((block_t, da), lambda i: (i, 0)),
            pl.BlockSpec((block_t, db), lambda i: (i, 0)),
            pl.BlockSpec((block_t, num_dim), lambda i: (i, 0)),
            pl.BlockSpec((da, d_model), lambda i: (0, 0)),
            pl.BlockSpec((db, d_model), lambda i: (0, 0)),
            pl.BlockSpec((num_dim, embed), lambda i: (0, 0)),
            pl.BlockSpec((1, embed), lambda i: (0, 0)),
            pl.BlockSpec((embed, d_model), lambda i: (0, 0)),
            pl.BlockSpec((1, d_model), lambda i: (0, 0)),
        ],
        out_specs=pl.BlockSpec((block_t, d_model), lambda i: (i, 0)),
        out_shape=jax.ShapeDtypeStruct((t, d_model), jnp.float32),
    )(
        ga,
        gb,
        num2d,
        w_a,
        w_b,
        w_num,
        b_num.reshape(1, embed),
        w_tail,
        b_final.reshape(1, d_model),
    )


def kernel(cat_feats, num_feats, tables, W_num, b_num, W_final, b_final):
    b, l, n_cat = cat_feats.shape
    _, vocab, embed = tables.shape
    num_dim = num_feats.shape[-1]
    d_model = W_final.shape[1]
    t = b * l
    tok_chunk = 128
    n_a = 16
    n_b = n_cat - n_a
    n_slot_b = n_b + 2

    cat_t = (
        cat_feats.reshape(t // tok_chunk, tok_chunk, n_cat)
        .astype(jnp.int32)
        .transpose(0, 2, 1)
    )
    idx_a = cat_t[:, :n_a, :].reshape(t // tok_chunk * n_a, tok_chunk)
    idx_b = jnp.concatenate(
        [cat_t[:, n_a:, :], cat_t[:, :2, :]], axis=1
    ).reshape(t // tok_chunk * n_slot_b, tok_chunk)

    g_a = _sc_gather(
        tables[:n_a], idx_a, t, n_a, embed, n_workers=32, tok_chunk=tok_chunk
    )
    g_b = _sc_gather(
        tables[n_a:], idx_b, t, n_slot_b, embed, n_workers=32,
        tok_chunk=tok_chunk,
    )

    cat_d = n_cat * embed
    w_a = W_final[: n_a * embed]
    w_b = jnp.zeros((n_slot_b * embed, d_model), jnp.float32).at[
        : n_b * embed
    ].set(W_final[n_a * embed : cat_d])
    w_tail = W_final[cat_d:]

    out = _tc_tail(
        g_a, g_b, num_feats.reshape(t, num_dim), w_a, w_b, W_num, b_num,
        w_tail, b_final, block_t=2048,
    )
    return out.reshape(b, l, d_model)

# --- scband reference (transcript-rebuilt; emitter-appended) ---
"""Pipeline reference for scband-multi-feature-embedding-44633300140509 (READ-ONLY COPY).

The authoritative reference and input builder live on the scoring server;
editing this copy changes nothing except your own understanding.
"""

import jax, jax.numpy as jnp
import numpy as np

N_CAT = 26
VOCAB = 100000
EMBED = 32
NUM_DIM = 16
D_MODEL = 128
B = 4096
L = 20


def setup_inputs(seed: int = 0) -> dict:
    key = jax.random.key(seed)
    ks = jax.random.split(key, 7)
    cat_feats = jax.random.randint(ks[0], (B, L, N_CAT), 0, VOCAB, dtype=jnp.int32)
    num_feats = jax.random.normal(ks[1], (B, L, NUM_DIM), dtype=jnp.float32)
    # one embedding table per categorical field (all vocab sizes equal -> stacked)
    tables = jax.random.normal(ks[2], (N_CAT, VOCAB, EMBED), dtype=jnp.float32) * 0.02
    W_num = jax.random.normal(ks[3], (NUM_DIM, EMBED), dtype=jnp.float32) * 0.05
    b_num = jnp.zeros((EMBED,), dtype=jnp.float32)
    W_final = jax.random.normal(ks[4], (N_CAT * EMBED + EMBED, D_MODEL), dtype=jnp.float32) * 0.05
    b_final = jnp.zeros((D_MODEL,), dtype=jnp.float32)
    return {
        "cat_feats": cat_feats,
        "num_feats": num_feats,
        "tables": tables,
        "W_num": W_num,
        "b_num": b_num,
        "W_final": W_final,
        "b_final": b_final,
    }


def reference(cat_feats, num_feats, tables, W_num, b_num, W_final, b_final):
    # per-field embedding lookup (gather), matching the ModuleDict loop
    cat_embeds = [jnp.take(tables[i], cat_feats[:, :, i], axis=0) for i in range(N_CAT)]
    cat_stack = jnp.concatenate(cat_embeds, axis=-1)  # [B, L, N_CAT*EMBED]
    num_proj = num_feats @ W_num + b_num              # [B, L, EMBED]
    combined = jnp.concatenate([cat_stack, num_proj], axis=-1)
    return combined @ W_final + b_final               # [B, L, D_MODEL]

if __name__ == "__main__":
    import jax
    _d = setup_inputs()
    print(jax.jit(kernel)(*tuple(_d.values())))

</pallas_src>

<mosaic_0001>
#map = affine_map<(d0, d1) -> (0, 0)>
#map1 = affine_map<(d0, d1) -> (0, 0, 0)>
module attributes {stable_mosaic.version = 14 : i64} {
  func.func @k(%arg0: i32, %arg1: i32, %arg2: memref<7680x128xi32, #tpu.memory_space<hbm>>, %arg3: memref<10x100000x32xf32, #tpu.memory_space<hbm>>, %arg4: memref<81920x384xf32, #tpu.memory_space<hbm>>, %arg5: memref<12x128xi32, #tpu.memory_space<vmem>>, %arg6: memref<1536x32xf32, #tpu.memory_space<vmem>>, %arg7: memref<!tpu.dma_semaphore, #tpu.memory_space<semaphore_mem>>, %arg8: memref<!tpu.dma_semaphore, #tpu.memory_space<semaphore_mem>>) attributes {dimension_semantics = [#tpu.dimension_semantics<core_parallel>, #tpu.dimension_semantics<subcore_parallel>], iteration_bounds = array<i64: 2, 16>, scalar_prefetch = 0 : i64, scratch_operands = 4 : i64, tpu.core_type = #tpu.core_type<sc_vector_subcore>, window_params = [{transform_indices = #map}, {transform_indices = #map1}, {transform_indices = #map}]} {
    %mul3A = arith.constant 2 : i32
    %mul3A_0 = arith.muli %arg1, %mul3A : i32
    %add3A = arith.addi %mul3A_0, %arg0 : i32
    %mul3A_1 = arith.constant 20 : i32
    %mul3A_2 = arith.muli %add3A, %mul3A_1 : i32
    %scan3A = arith.constant 0 : i32
    %scan3A_3 = arith.constant 0 : i32
    %scan3A_4 = arith.constant 20 : i32
    %scan3A_5 = arith.addi %scan3A_3, %scan3A_4 : i32
    %scan3A_6 = arith.constant 1 : i32
    scf.for %scan3A_8 = %scan3A_3 to %scan3A_5 step %scan3A_6  : i32 {
      %add3A_9 = arith.addi %mul3A_2, %scan3A_8 : i32
      %mul3A_10 = arith.constant 128 : i32
      %mul3A_11 = arith.muli %add3A_9, %mul3A_10 : i32
      %mul3A_12 = arith.constant 12 : i32
      %mul3A_13 = arith.muli %add3A_9, %mul3A_12 : i32
      "tpu.region"() ({
        %run_scoped3A = tpu.sem_alloc : memref<!tpu.dma_semaphore, #tpu.memory_space<semaphore_mem>>
        %dma_start3A = arith.constant 0 : i32
        %dma_start3A_55 = tpu.memref_slice %arg2[%mul3A_13, %dma_start3A] : memref<7680x128xi32, #tpu.memory_space<hbm>> -> memref<12x128xi32, #tpu.memory_space<hbm>>
        %dma_start3A_56 = arith.constant 0 : i32
        %dma_start3A_57 = tpu.memref_slice %arg2[%mul3A_13, %dma_start3A_56] : memref<7680x128xi32, #tpu.memory_space<hbm>> -> memref<12x128xi32, #tpu.memory_space<hbm>>
        tpu.enqueue_dma source(%dma_start3A_57 : memref<12x128xi32, #tpu.memory_space<hbm>>) target(%arg5 : memref<12x128xi32, #tpu.memory_space<vmem>>) target_semaphore(%run_scoped3A : memref<!tpu.dma_semaphore, #tpu.memory_space<semaphore_mem>>)
        %dma_wait3A_58 = arith.constant 0 : i32
        %dma_wait3A_59 = tpu.memref_slice %arg2[%mul3A_13, %dma_wait3A_58] : memref<7680x128xi32, #tpu.memory_space<hbm>> -> memref<12x128xi32, #tpu.memory_space<hbm>>
        %dma_wait3A_60 = arith.constant 0 : i32
        %dma_wait3A_61 = tpu.memref_slice %arg2[%mul3A_13, %dma_wait3A_60] : memref<7680x128xi32, #tpu.memory_space<hbm>> -> memref<12x128xi32, #tpu.memory_space<hbm>>
        tpu.wait_dma2 semaphore(%run_scoped3A : memref<!tpu.dma_semaphore, #tpu.memory_space<semaphore_mem>>) src(%dma_wait3A_61 : memref<12x128xi32, #tpu.memory_space<hbm>>) dst(%arg5 : memref<12x128xi32, #tpu.memory_space<vmem>>)
        tpu.yield
      }) : () -> ()
      %scan3A_14 = arith.constant 0 : i32
      %scan3A_15 = arith.constant 0 : i32
      %scan3A_16 = arith.constant 12 : i32
      %scan3A_17 = arith.addi %scan3A_15, %scan3A_16 : i32
      %scan3A_18 = arith.constant 1 : i32
      scf.for %scan3A_55 = %scan3A_15 to %scan3A_17 step %scan3A_18  : i32 {
        %lt3A = arith.constant 10 : i32
        %lt3A_56 = arith.cmpi slt, %scan3A_55, %lt3A : i32
        %sub3A = arith.constant 10 : i32
        %sub3A_57 = arith.subi %scan3A_55, %sub3A : i32
        %select_n3A = arith.select %lt3A_56, %scan3A_55, %sub3A_57 : i32
        %mul3A_58 = arith.constant 128 : i32
        %mul3A_59 = arith.muli %scan3A_55, %mul3A_58 : i32
        %dma_start3A = arith.constant 0 : i32
        %dma_start3A_60 = tpu.memref_slice %arg6[%mul3A_59, %dma_start3A] : memref<1536x32xf32, #tpu.memory_space<vmem>> -> memref<128x32xf32, #tpu.memory_space<vmem>>
        %dma_start3A_61 = arith.constant 0 : i32
        %dma_start3A_62 = tpu.memref_slice %arg5[%scan3A_55, %dma_start3A_61] : memref<12x128xi32, #tpu.memory_space<vmem>> -> memref<1x128xi32, #tpu.memory_space<vmem>>
        %dma_start3A_63 = tpu.memref_squeeze %dma_start3A_62 : memref<1x128xi32, #tpu.memory_space<vmem>> -> memref<128xi32, #tpu.memory_space<vmem>>
        %dma_start3A_64 = arith.constant 0 : i32
        %dma_start3A_65 = arith.constant 0 : i32
        %dma_start3A_66 = tpu.memref_slice %arg3[%select_n3A, %dma_start3A_64, %dma_start3A_65] : memref<10x100000x32xf32, #tpu.memory_space<hbm>> -> memref<1x100000x32xf32, #tpu.memory_space<hbm>>
        %dma_start3A_67 = tpu.memref_squeeze %dma_start3A_66 : memref<1x100000x32xf32, #tpu.memory_space<hbm>> -> memref<100000x32xf32, #tpu.memory_space<hbm>>
        %dma_start3A_68 = arith.constant 0 : i32
        %dma_start3A_69 = arith.constant 0 : i32
        %dma_start3A_70 = tpu.memref_slice %dma_start3A_67[%dma_start3A_68, %dma_start3A_69] : memref<100000x32xf32, #tpu.memory_space<hbm>> -> memref<100000x32xf32, #tpu.memory_space<hbm>>
        tpu.enqueue_indirect_dma source(%dma_start3A_70 : memref<100000x32xf32, #tpu.memory_space<hbm>>) target(%dma_start3A_60 : memref<128x32xf32, #tpu.memory_space<vmem>>) offsets(%dma_start3A_63 : memref<128xi32, #tpu.memory_space<vmem>>) semaphore(%arg7 : memref<!tpu.dma_semaphore, #tpu.memory_space<semaphore_mem>>)
      }
      %scan3A_19 = arith.constant 12 : i32
      %dma_wait3A = arith.constant 0 : i32
      %dma_wait3A_20 = arith.constant 0 : i32
      %dma_wait3A_21 = arith.constant 0 : i32
      %dma_wait3A_22 = tpu.memref_slice %arg3[%dma_wait3A, %dma_wait3A_20, %dma_wait3A_21] : memref<10x100000x32xf32, #tpu.memory_space<hbm>> -> memref<1x100000x32xf32, #tpu.memory_space<hbm>>
      %dma_wait3A_23 = tpu.memref_squeeze %dma_wait3A_22 : memref<1x100000x32xf32, #tpu.memory_space<hbm>> -> memref<100000x32xf32, #tpu.memory_space<hbm>>
      %dma_wait3A_24 = arith.constant 0 : i32
      %dma_wait3A_25 = arith.constant 0 : i32
      %dma_wait3A_26 = tpu.memref_slice %dma_wait3A_23[%dma_wait3A_24, %dma_wait3A_25] : memref<100000x32xf32, #tpu.memory_space<hbm>> -> memref<1536x32xf32, #tpu.memory_space<hbm>>
      %dma_wait3A_27 = arith.constant 0 : i32
      %dma_wait3A_28 = arith.constant 0 : i32
      %dma_wait3A_29 = tpu.memref_slice %arg3[%dma_wait3A, %dma_wait3A_27, %dma_wait3A_28] : memref<10x100000x32xf32, #tpu.memory_space<hbm>> -> memref<1x100000x32xf32, #tpu.memory_space<hbm>>
      %dma_wait3A_30 = tpu.memref_squeeze %dma_wait3A_29 : memref<1x100000x32xf32, #tpu.memory_space<hbm>> -> memref<100000x32xf32, #tpu.memory_space<hbm>>
      %dma_wait3A_31 = arith.constant 0 : i32
      %dma_wait3A_32 = arith.constant 0 : i32
      %dma_wait3A_33 = tpu.memref_slice %dma_wait3A_30[%dma_wait3A_31, %dma_wait3A_32] : memref<100000x32xf32, #tpu.memory_space<hbm>> -> memref<1536x32xf32, #tpu.memory_space<hbm>>
      tpu.wait_dma2 semaphore(%arg7 : memref<!tpu.dma_semaphore, #tpu.memory_space<semaphore_mem>>) src(%dma_wait3A_33 : memref<1536x32xf32, #tpu.memory_space<hbm>>) dst(%arg6 : memref<1536x32xf32, #tpu.memory_space<vmem>>)
      %scan3A_34 = arith.constant 0 : i32
      %scan3A_35 = arith.constant 0 : i32
      %scan3A_36 = arith.constant 12 : i32
      %scan3A_37 = arith.addi %scan3A_35, %scan3A_36 : i32
      %scan3A_38 = arith.constant 1 : i32
      scf.for %scan3A_55 = %scan3A_35 to %scan3A_37 step %scan3A_38  : i32 {
        %mul3A_56 = arith.constant 128 : i32
        %mul3A_57 = arith.muli %scan3A_55, %mul3A_56 : i32
        %mul3A_58 = arith.constant 32 : i32
        %mul3A_59 = arith.muli %scan3A_55, %mul3A_58 : i32
        %dma_start3A = arith.constant 0 : i32
        %dma_start3A_60 = tpu.memref_slice %arg6[%mul3A_57, %dma_start3A] : memref<1536x32xf32, #tpu.memory_space<vmem>> -> memref<128x32xf32, #tpu.memory_space<vmem>>
        %dma_start3A_61 = tpu.memref_slice %arg4[%mul3A_11, %mul3A_59] : memref<81920x384xf32, #tpu.memory_space<hbm>> -> memref<128x32xf32, #tpu.memory_space<hbm>>
        %dma_start3A_62 = tpu.memref_slice %arg4[%mul3A_11, %mul3A_59] : memref<81920x384xf32, #tpu.memory_space<hbm>> -> memref<128x32xf32, #tpu.memory_space<hbm>>
        %dma_start3A_63 = arith.constant 0 : i32
        %dma_start3A_64 = tpu.memref_slice %arg6[%mul3A_57, %dma_start3A_63] : memref<1536x32xf32, #tpu.memory_space<vmem>> -> memref<128x32xf32, #tpu.memory_space<vmem>>
        tpu.enqueue_dma source(%dma_start3A_64 : memref<128x32xf32, #tpu.memory_space<vmem>>) target(%dma_start3A_62 : memref<128x32xf32, #tpu.memory_space<hbm>>) target_semaphore(%arg8 : memref<!tpu.dma_semaphore, #tpu.memory_space<semaphore_mem>>)
      }
      %scan3A_39 = arith.constant 12 : i32
      %dma_wait3A_40 = arith.constant 0 : i32
      %dma_wait3A_41 = arith.constant 0 : i32
      %dma_wait3A_42 = arith.constant 0 : i32
      %dma_wait3A_43 = tpu.memref_slice %arg3[%dma_wait3A_40, %dma_wait3A_41, %dma_wait3A_42] : memref<10x100000x32xf32, #tpu.memory_space<hbm>> -> memref<1x100000x32xf32, #tpu.memory_space<hbm>>
      %dma_wait3A_44 = tpu.memref_squeeze %dma_wait3A_43 : memref<1x100000x32xf32, #tpu.memory_space<hbm>> -> memref<100000x32xf32, #tpu.memory_space<hbm>>
      %dma_wait3A_45 = arith.constant 0 : i32
      %dma_wait3A_46 = arith.constant 0 : i32
      %dma_wait3A_47 = tpu.memref_slice %dma_wait3A_44[%dma_wait3A_45, %dma_wait3A_46] : memref<100000x32xf32, #tpu.memory_space<hbm>> -> memref<1536x32xf32, #tpu.memory_space<hbm>>
      %dma_wait3A_48 = arith.constant 0 : i32
      %dma_wait3A_49 = arith.constant 0 : i32
      %dma_wait3A_50 = tpu.memref_slice %arg3[%dma_wait3A_40, %dma_wait3A_48, %dma_wait3A_49] : memref<10x100000x32xf32, #tpu.memory_space<hbm>> -> memref<1x100000x32xf32, #tpu.memory_space<hbm>>
      %dma_wait3A_51 = tpu.memref_squeeze %dma_wait3A_50 : memref<1x100000x32xf32, #tpu.memory_space<hbm>> -> memref<100000x32xf32, #tpu.memory_space<hbm>>
      %dma_wait3A_52 = arith.constant 0 : i32
      %dma_wait3A_53 = arith.constant 0 : i32
      %dma_wait3A_54 = tpu.memref_slice %dma_wait3A_51[%dma_wait3A_52, %dma_wait3A_53] : memref<100000x32xf32, #tpu.memory_space<hbm>> -> memref<1536x32xf32, #tpu.memory_space<hbm>>
      tpu.wait_dma2 semaphore(%arg8 : memref<!tpu.dma_semaphore, #tpu.memory_space<semaphore_mem>>) src(%dma_wait3A_54 : memref<1536x32xf32, #tpu.memory_space<hbm>>) dst(%arg6 : memref<1536x32xf32, #tpu.memory_space<vmem>>)
    }
    %scan3A_7 = arith.constant 20 : i32
    return
  }
}

#map = affine_map<(d0, d1) -> (0, 0)>
#map1 = affine_map<(d0, d1) -> (0, 0, 0)>
module attributes {stable_mosaic.version = 14 : i64} {
  func.func @k(%arg0: i32, %arg1: i32, %arg2: memref<10240x128xi32, #tpu.memory_space<hbm>>, %arg3: memref<16x100000x32xf32, #tpu.memory_space<hbm>>, %arg4: memref<81920x512xf32, #tpu.memory_space<hbm>>, %arg5: memref<16x128xi32, #tpu.memory_space<vmem>>, %arg6: memref<2048x32xf32, #tpu.memory_space<vmem>>, %arg7: memref<!tpu.dma_semaphore, #tpu.memory_space<semaphore_mem>>, %arg8: memref<!tpu.dma_semaphore, #tpu.memory_space<semaphore_mem>>) attributes {dimension_semantics = [#tpu.dimension_semantics<core_parallel>, #tpu.dimension_semantics<subcore_parallel>], iteration_bounds = array<i64: 2, 16>, scalar_prefetch = 0 : i64, scratch_operands = 4 : i64, tpu.core_type = #tpu.core_type<sc_vector_subcore>, window_params = [{transform_indices = #map}, {transform_indices = #map1}, {transform_indices = #map}]} {
    %mul3A = arith.constant 2 : i32
    %mul3A_0 = arith.muli %arg1, %mul3A : i32
    %add3A = arith.addi %mul3A_0, %arg0 : i32
    %mul3A_1 = arith.constant 20 : i32
    %mul3A_2 = arith.muli %add3A, %mul3A_1 : i32
    %scan3A = arith.constant 0 : i32
    %scan3A_3 = arith.constant 0 : i32
    %scan3A_4 = arith.constant 20 : i32
    %scan3A_5 = arith.addi %scan3A_3, %scan3A_4 : i32
    %scan3A_6 = arith.constant 1 : i32
    scf.for %scan3A_8 = %scan3A_3 to %scan3A_5 step %scan3A_6  : i32 {
      %add3A_9 = arith.addi %mul3A_2, %scan3A_8 : i32
      %mul3A_10 = arith.constant 128 : i32
      %mul3A_11 = arith.muli %add3A_9, %mul3A_10 : i32
      %mul3A_12 = arith.constant 16 : i32
      %mul3A_13 = arith.muli %add3A_9, %mul3A_12 : i32
      "tpu.region"() ({
        %run_scoped3A = tpu.sem_alloc : memref<!tpu.dma_semaphore, #tpu.memory_space<semaphore_mem>>
        %dma_start3A = arith.constant 0 : i32
        %dma_start3A_55 = tpu.memref_slice %arg2[%mul3A_13, %dma_start3A] : memref<10240x128xi32, #tpu.memory_space<hbm>> -> memref<16x128xi32, #tpu.memory_space<hbm>>
        %dma_start3A_56 = arith.constant 0 : i32
        %dma_start3A_57 = tpu.memref_slice %arg2[%mul3A_13, %dma_start3A_56] : memref<10240x128xi32, #tpu.memory_space<hbm>> -> memref<16x128xi32, #tpu.memory_space<hbm>>
        tpu.enqueue_dma source(%dma_start3A_57 : memref<16x128xi32, #tpu.memory_space<hbm>>) target(%arg5 : memref<16x128xi32, #tpu.memory_space<vmem>>) target_semaphore(%run_scoped3A : memref<!tpu.dma_semaphore, #tpu.memory_space<semaphore_mem>>)
        %dma_wait3A_58 = arith.constant 0 : i32
        %dma_wait3A_59 = tpu.memref_slice %arg2[%mul3A_13, %dma_wait3A_58] : memref<10240x128xi32, #tpu.memory_space<hbm>> -> memref<16x128xi32, #tpu.memory_space<hbm>>
        %dma_wait3A_60 = arith.constant 0 : i32
        %dma_wait3A_61 = tpu.memref_slice %arg2[%mul3A_13, %dma_wait3A_60] : memref<10240x128xi32, #tpu.memory_space<hbm>> -> memref<16x128xi32, #tpu.memory_space<hbm>>
        tpu.wait_dma2 semaphore(%run_scoped3A : memref<!tpu.dma_semaphore, #tpu.memory_space<semaphore_mem>>) src(%dma_wait3A_61 : memref<16x128xi32, #tpu.memory_space<hbm>>) dst(%arg5 : memref<16x128xi32, #tpu.memory_space<vmem>>)
        tpu.yield
      }) : () -> ()
      %scan3A_14 = arith.constant 0 : i32
      %scan3A_15 = arith.constant 0 : i32
      %scan3A_16 = arith.constant 16 : i32
      %scan3A_17 = arith.addi %scan3A_15, %scan3A_16 : i32
      %scan3A_18 = arith.constant 1 : i32
      scf.for %scan3A_55 = %scan3A_15 to %scan3A_17 step %scan3A_18  : i32 {
        %lt3A = arith.constant 16 : i32
        %lt3A_56 = arith.cmpi slt, %scan3A_55, %lt3A : i32
        %sub3A = arith.constant 16 : i32
        %sub3A_57 = arith.subi %scan3A_55, %sub3A : i32
        %select_n3A = arith.select %lt3A_56, %scan3A_55, %sub3A_57 : i32
        %mul3A_58 = arith.constant 128 : i32
        %mul3A_59 = arith.muli %scan3A_55, %mul3A_58 : i32
        %dma_start3A = arith.constant 0 : i32
        %dma_start3A_60 = tpu.memref_slice %arg6[%mul3A_59, %dma_start3A] : memref<2048x32xf32, #tpu.memory_space<vmem>> -> memref<128x32xf32, #tpu.memory_space<vmem>>
        %dma_start3A_61 = arith.constant 0 : i32
        %dma_start3A_62 = tpu.memref_slice %arg5[%scan3A_55, %dma_start3A_61] : memref<16x128xi32, #tpu.memory_space<vmem>> -> memref<1x128xi32, #tpu.memory_space<vmem>>
        %dma_start3A_63 = tpu.memref_squeeze %dma_start3A_62 : memref<1x128xi32, #tpu.memory_space<vmem>> -> memref<128xi32, #tpu.memory_space<vmem>>
        %dma_start3A_64 = arith.constant 0 : i32
        %dma_start3A_65 = arith.constant 0 : i32
        %dma_start3A_66 = tpu.memref_slice %arg3[%select_n3A, %dma_start3A_64, %dma_start3A_65] : memref<16x100000x32xf32, #tpu.memory_space<hbm>> -> memref<1x100000x32xf32, #tpu.memory_space<hbm>>
        %dma_start3A_67 = tpu.memref_squeeze %dma_start3A_66 : memref<1x100000x32xf32, #tpu.memory_space<hbm>> -> memref<100000x32xf32, #tpu.memory_space<hbm>>
        %dma_start3A_68 = arith.constant 0 : i32
        %dma_start3A_69 = arith.constant 0 : i32
        %dma_start3A_70 = tpu.memref_slice %dma_start3A_67[%dma_start3A_68, %dma_start3A_69] : memref<100000x32xf32, #tpu.memory_space<hbm>> -> memref<100000x32xf32, #tpu.memory_space<hbm>>
        tpu.enqueue_indirect_dma source(%dma_start3A_70 : memref<100000x32xf32, #tpu.memory_space<hbm>>) target(%dma_start3A_60 : memref<128x32xf32, #tpu.memory_space<vmem>>) offsets(%dma_start3A_63 : memref<128xi32, #tpu.memory_space<vmem>>) semaphore(%arg7 : memref<!tpu.dma_semaphore, #tpu.memory_space<semaphore_mem>>)
      }
      %scan3A_19 = arith.constant 16 : i32
      %dma_wait3A = arith.constant 0 : i32
      %dma_wait3A_20 = arith.constant 0 : i32
      %dma_wait3A_21 = arith.constant 0 : i32
      %dma_wait3A_22 = tpu.memref_slice %arg3[%dma_wait3A, %dma_wait3A_20, %dma_wait3A_21] : memref<16x100000x32xf32, #tpu.memory_space<hbm>> -> memref<1x100000x32xf32, #tpu.memory_space<hbm>>
      %dma_wait3A_23 = tpu.memref_squeeze %dma_wait3A_22 : memref<1x100000x32xf32, #tpu.memory_space<hbm>> -> memref<100000x32xf32, #tpu.memory_space<hbm>>
      %dma_wait3A_24 = arith.constant 0 : i32
      %dma_wait3A_25 = arith.constant 0 : i32
      %dma_wait3A_26 = tpu.memref_slice %dma_wait3A_23[%dma_wait3A_24, %dma_wait3A_25] : memref<100000x32xf32, #tpu.memory_space<hbm>> -> memref<2048x32xf32, #tpu.memory_space<hbm>>
      %dma_wait3A_27 = arith.constant 0 : i32
      %dma_wait3A_28 = arith.constant 0 : i32
      %dma_wait3A_29 = tpu.memref_slice %arg3[%dma_wait3A, %dma_wait3A_27, %dma_wait3A_28] : memref<16x100000x32xf32, #tpu.memory_space<hbm>> -> memref<1x100000x32xf32, #tpu.memory_space<hbm>>
      %dma_wait3A_30 = tpu.memref_squeeze %dma_wait3A_29 : memref<1x100000x32xf32, #tpu.memory_space<hbm>> -> memref<100000x32xf32, #tpu.memory_space<hbm>>
      %dma_wait3A_31 = arith.constant 0 : i32
      %dma_wait3A_32 = arith.constant 0 : i32
      %dma_wait3A_33 = tpu.memref_slice %dma_wait3A_30[%dma_wait3A_31, %dma_wait3A_32] : memref<100000x32xf32, #tpu.memory_space<hbm>> -> memref<2048x32xf32, #tpu.memory_space<hbm>>
      tpu.wait_dma2 semaphore(%arg7 : memref<!tpu.dma_semaphore, #tpu.memory_space<semaphore_mem>>) src(%dma_wait3A_33 : memref<2048x32xf32, #tpu.memory_space<hbm>>) dst(%arg6 : memref<2048x32xf32, #tpu.memory_space<vmem>>)
      %scan3A_34 = arith.constant 0 : i32
      %scan3A_35 = arith.constant 0 : i32
      %scan3A_36 = arith.constant 16 : i32
      %scan3A_37 = arith.addi %scan3A_35, %scan3A_36 : i32
      %scan3A_38 = arith.constant 1 : i32
      scf.for %scan3A_55 = %scan3A_35 to %scan3A_37 step %scan3A_38  : i32 {
        %mul3A_56 = arith.constant 128 : i32
        %mul3A_57 = arith.muli %scan3A_55, %mul3A_56 : i32
        %mul3A_58 = arith.constant 32 : i32
        %mul3A_59 = arith.muli %scan3A_55, %mul3A_58 : i32
        %dma_start3A = arith.constant 0 : i32
        %dma_start3A_60 = tpu.memref_slice %arg6[%mul3A_57, %dma_start3A] : memref<2048x32xf32, #tpu.memory_space<vmem>> -> memref<128x32xf32, #tpu.memory_space<vmem>>
        %dma_start3A_61 = tpu.memref_slice %arg4[%mul3A_11, %mul3A_59] : memref<81920x512xf32, #tpu.memory_space<hbm>> -> memref<128x32xf32, #tpu.memory_space<hbm>>
        %dma_start3A_62 = tpu.memref_slice %arg4[%mul3A_11, %mul3A_59] : memref<81920x512xf32, #tpu.memory_space<hbm>> -> memref<128x32xf32, #tpu.memory_space<hbm>>
        %dma_start3A_63 = arith.constant 0 : i32
        %dma_start3A_64 = tpu.memref_slice %arg6[%mul3A_57, %dma_start3A_63] : memref<2048x32xf32, #tpu.memory_space<vmem>> -> memref<128x32xf32, #tpu.memory_space<vmem>>
        tpu.enqueue_dma source(%dma_start3A_64 : memref<128x32xf32, #tpu.memory_space<vmem>>) target(%dma_start3A_62 : memref<128x32xf32, #tpu.memory_space<hbm>>) target_semaphore(%arg8 : memref<!tpu.dma_semaphore, #tpu.memory_space<semaphore_mem>>)
      }
      %scan3A_39 = arith.constant 16 : i32
      %dma_wait3A_40 = arith.constant 0 : i32
      %dma_wait3A_41 = arith.constant 0 : i32
      %dma_wait3A_42 = arith.constant 0 : i32
      %dma_wait3A_43 = tpu.memref_slice %arg3[%dma_wait3A_40, %dma_wait3A_41, %dma_wait3A_42] : memref<16x100000x32xf32, #tpu.memory_space<hbm>> -> memref<1x100000x32xf32, #tpu.memory_space<hbm>>
      %dma_wait3A_44 = tpu.memref_squeeze %dma_wait3A_43 : memref<1x100000x32xf32, #tpu.memory_space<hbm>> -> memref<100000x32xf32, #tpu.memory_space<hbm>>
      %dma_wait3A_45 = arith.constant 0 : i32
      %dma_wait3A_46 = arith.constant 0 : i32
      %dma_wait3A_47 = tpu.memref_slice %dma_wait3A_44[%dma_wait3A_45, %dma_wait3A_46] : memref<100000x32xf32, #tpu.memory_space<hbm>> -> memref<2048x32xf32, #tpu.memory_space<hbm>>
      %dma_wait3A_48 = arith.constant 0 : i32
      %dma_wait3A_49 = arith.constant 0 : i32
      %dma_wait3A_50 = tpu.memref_slice %arg3[%dma_wait3A_40, %dma_wait3A_48, %dma_wait3A_49] : memref<16x100000x32xf32, #tpu.memory_space<hbm>> -> memref<1x100000x32xf32, #tpu.memory_space<hbm>>
      %dma_wait3A_51 = tpu.memref_squeeze %dma_wait3A_50 : memref<1x100000x32xf32, #tpu.memory_space<hbm>> -> memref<100000x32xf32, #tpu.memory_space<hbm>>
      %dma_wait3A_52 = arith.constant 0 : i32
      %dma_wait3A_53 = arith.constant 0 : i32
      %dma_wait3A_54 = tpu.memref_slice %dma_wait3A_51[%dma_wait3A_52, %dma_wait3A_53] : memref<100000x32xf32, #tpu.memory_space<hbm>> -> memref<2048x32xf32, #tpu.memory_space<hbm>>
      tpu.wait_dma2 semaphore(%arg8 : memref<!tpu.dma_semaphore, #tpu.memory_space<semaphore_mem>>) src(%dma_wait3A_54 : memref<2048x32xf32, #tpu.memory_space<hbm>>) dst(%arg6 : memref<2048x32xf32, #tpu.memory_space<vmem>>)
    }
    %scan3A_7 = arith.constant 20 : i32
    return
  }
}

module attributes {stable_mosaic.version = 14 : i64} {
  func.func @body(%arg0: i32, %arg1: memref<2048x512xf32, #tpu.memory_space<vmem>>, %arg2: memref<2048x384xf32, #tpu.memory_space<vmem>>, %arg3: memref<2048x16xf32, #tpu.memory_space<vmem>>, %arg4: memref<512x128xf32, #tpu.memory_space<vmem>>, %arg5: memref<384x128xf32, #tpu.memory_space<vmem>>, %arg6: memref<16x32xf32, #tpu.memory_space<vmem>>, %arg7: memref<1x32xf32, #tpu.memory_space<vmem>>, %arg8: memref<32x128xf32, #tpu.memory_space<vmem>>, %arg9: memref<1x128xf32, #tpu.memory_space<vmem>>, %arg10: memref<2048x128xf32, #tpu.memory_space<vmem>>) attributes {dimension_semantics = [#tpu.dimension_semantics<arbitrary>], iteration_bounds = array<i64: 40>, scalar_prefetch = 0 : i64, scratch_operands = 0 : i64, tpu.core_type = #tpu.core_type<tc>, window_params = [{transform_indices = @transform_0, window_bounds = array<i64: 2048, 512>}, {transform_indices = @transform_1, window_bounds = array<i64: 2048, 384>}, {transform_indices = @transform_2, window_bounds = array<i64: 2048, 16>}, {pipeline_mode = #tpu.pipeline_mode<synchronous>, transform_indices = @transform_3, window_bounds = array<i64: 512, 128>}, {pipeline_mode = #tpu.pipeline_mode<synchronous>, transform_indices = @transform_4, window_bounds = array<i64: 384, 128>}, {pipeline_mode = #tpu.pipeline_mode<synchronous>, transform_indices = @transform_5, window_bounds = array<i64: 16, 32>}, {pipeline_mode = #tpu.pipeline_mode<synchronous>, transform_indices = @transform_6, window_bounds = array<i64: 1, 32>}, {pipeline_mode = #tpu.pipeline_mode<synchronous>, transform_indices = @transform_7, window_bounds = array<i64: 32, 128>}, {pipeline_mode = #tpu.pipeline_mode<synchronous>, transform_indices = @transform_8, window_bounds = array<i64: 1, 128>}, {transform_indices = @transform_9, window_bounds = array<i64: 2048, 128>}]} {
    %get3A = arith.constant 0 : index
    %get3A_0 = arith.constant 0 : index
    %get3A_1 = vector.load %arg3[%get3A, %get3A_0] : memref<2048x16xf32, #tpu.memory_space<vmem>>, vector<2048x16xf32>
    %get3A_2 = arith.constant 0 : index
    %get3A_3 = arith.constant 0 : index
    %get3A_4 = vector.load %arg6[%get3A_2, %get3A_3] : memref<16x32xf32, #tpu.memory_space<vmem>>, vector<16x32xf32>
    %dot_general3A = arith.constant dense<0.000000e+00> : vector<2048x32xf32>
    %dot_general3A_5 = tpu.matmul %get3A_1, %get3A_4, %dot_general3A {dimension_numbers = #tpu.dot_dimension_numbers<[1], [0], [0], [1], [0, 0, 1, 1], [], []>, transpose_lhs_hint = false} : vector<2048x16xf32>, vector<16x32xf32>, vector<2048x32xf32> -> vector<2048x32xf32>
    %get3A_6 = arith.constant 0 : index
    %get3A_7 = arith.constant 0 : index
    %get3A_8 = vector.load %arg7[%get3A_6, %get3A_7] : memref<1x32xf32, #tpu.memory_space<vmem>>, vector<1x32xf32>
    %add3A = vector.broadcast %get3A_8 : vector<1x32xf32> to vector<2048x32xf32>
    %add3A_9 = arith.addf %dot_general3A_5, %add3A : vector<2048x32xf32>
    %get3A_10 = arith.constant 0 : index
    %get3A_11 = arith.constant 0 : index
    %get3A_12 = vector.load %arg1[%get3A_10, %get3A_11] : memref<2048x512xf32, #tpu.memory_space<vmem>>, vector<2048x512xf32>
    %get3A_13 = arith.constant 0 : index
    %get3A_14 = arith.constant 0 : index
    %get3A_15 = vector.load %arg4[%get3A_13, %get3A_14] : memref<512x128xf32, #tpu.memory_space<vmem>>, vector<512x128xf32>
    %dot_general3A_16 = arith.constant dense<0.000000e+00> : vector<2048x128xf32>
    %dot_general3A_17 = tpu.matmul %get3A_12, %get3A_15, %dot_general3A_16 {dimension_numbers = #tpu.dot_dimension_numbers<[1], [0], [0], [1], [0, 0, 1, 1], [], []>, transpose_lhs_hint = false} : vector<2048x512xf32>, vector<512x128xf32>, vector<2048x128xf32> -> vector<2048x128xf32>
    %get3A_18 = arith.constant 0 : index
    %get3A_19 = arith.constant 0 : index
    %get3A_20 = vector.load %arg2[%get3A_18, %get3A_19] : memref<2048x384xf32, #tpu.memory_space<vmem>>, vector<2048x384xf32>
    %get3A_21 = arith.constant 0 : index
    %get3A_22 = arith.constant 0 : index
    %get3A_23 = vector.load %arg5[%get3A_21, %get3A_22] : memref<384x128xf32, #tpu.memory_space<vmem>>, vector<384x128xf32>
    %dot_general3A_24 = arith.constant dense<0.000000e+00> : vector<2048x128xf32>
    %dot_general3A_25 = tpu.matmul %get3A_20, %get3A_23, %dot_general3A_24 {dimension_numbers = #tpu.dot_dimension_numbers<[1], [0], [0], [1], [0, 0, 1, 1], [], []>, transpose_lhs_hint = false} : vector<2048x384xf32>, vector<384x128xf32>, vector<2048x128xf32> -> vector<2048x128xf32>
    %add3A_26 = arith.addf %dot_general3A_17, %dot_general3A_25 : vector<2048x128xf32>
    %get3A_27 = arith.constant 0 : index
    %get3A_28 = arith.constant 0 : index
    %get3A_29 = vector.load %arg8[%get3A_27, %get3A_28] : memref<32x128xf32, #tpu.memory_space<vmem>>, vector<32x128xf32>
    %dot_general3A_30 = arith.constant dense<0.000000e+00> : vector<2048x128xf32>
    %dot_general3A_31 = tpu.matmul %add3A_9, %get3A_29, %dot_general3A_30 {dimension_numbers = #tpu.dot_dimension_numbers<[1], [0], [0], [1], [0, 0, 1, 1], [], []>, transpose_lhs_hint = false} : vector<2048x32xf32>, vector<32x128xf32>, vector<2048x128xf32> -> vector<2048x128xf32>
    %add3A_32 = arith.addf %add3A_26, %dot_general3A_31 : vector<2048x128xf32>
    %get3A_33 = arith.constant 0 : index
    %get3A_34 = arith.constant 0 : index
    %get3A_35 = vector.load %arg9[%get3A_33, %get3A_34] : memref<1x128xf32, #tpu.memory_space<vmem>>, vector<1x128xf32>
    %add3A_36 = vector.broadcast %get3A_35 : vector<1x128xf32> to vector<2048x128xf32>
    %add3A_37 = arith.addf %add3A_32, %add3A_36 : vector<2048x128xf32>
    %swap3A = arith.constant 0 : index
    %swap3A_38 = arith.constant 0 : index
    %swap3A_39 = vector.load %arg10[%swap3A, %swap3A_38] : memref<2048x128xf32, #tpu.memory_space<vmem>>, vector<2048x128xf32>
    tpu.vector_store %arg10[%swap3A, %swap3A_38], %add3A_37 {strides = array<i32>} : memref<2048x128xf32, #tpu.memory_space<vmem>>, vector<2048x128xf32>,
    return
  }
  func.func @transform_0(%arg0: i32) -> (i32, i32) {
    %c0_i32 = arith.constant 0 : i32
    %c0_i32_0 = arith.constant 0 : i32
    return %arg0, %c0_i32 : i32, i32
  }
  func.func @transform_1(%arg0: i32) -> (i32, i32) {
    %c0_i32 = arith.constant 0 : i32
    %c0_i32_0 = arith.constant 0 : i32
    return %arg0, %c0_i32 : i32, i32
  }
  func.func @transform_2(%arg0: i32) -> (i32, i32) {
    %c0_i32 = arith.constant 0 : i32
    %c0_i32_0 = arith.constant 0 : i32
    return %arg0, %c0_i32 : i32, i32
  }
  func.func @transform_3(%arg0: i32) -> (i32, i32) {
    %c0_i32 = arith.constant 0 : i32
    %c0_i32_0 = arith.constant 0 : i32
    %c0_i32_1 = arith.constant 0 : i32
    return %c0_i32, %c0_i32_0 : i32, i32
  }
  func.func @transform_4(%arg0: i32) -> (i32, i32) {
    %c0_i32 = arith.constant 0 : i32
    %c0_i32_0 = arith.constant 0 : i32
    %c0_i32_1 = arith.constant 0 : i32
    return %c0_i32, %c0_i32_0 : i32, i32
  }
  func.func @transform_5(%arg0: i32) -> (i32, i32) {
    %c0_i32 = arith.constant 0 : i32
    %c0_i32_0 = arith.constant 0 : i32
    %c0_i32_1 = arith.constant 0 : i32
    return %c0_i32, %c0_i32_0 : i32, i32
  }
  func.func @transform_6(%arg0: i32) -> (i32, i32) {
    %c0_i32 = arith.constant 0 : i32
    %c0_i32_0 = arith.constant 0 : i32
    %c0_i32_1 = arith.constant 0 : i32
    return %c0_i32, %c0_i32_0 : i32, i32
  }
  func.func @transform_7(%arg0: i32) -> (i32, i32) {
    %c0_i32 = arith.constant 0 : i32
    %c0_i32_0 = arith.constant 0 : i32
    %c0_i32_1 = arith.constant 0 : i32
    return %c0_i32, %c0_i32_0 : i32, i32
  }
  func.func @transform_8(%arg0: i32) -> (i32, i32) {
    %c0_i32 = arith.constant 0 : i32
    %c0_i32_0 = arith.constant 0 : i32
    %c0_i32_1 = arith.constant 0 : i32
    return %c0_i32, %c0_i32_0 : i32, i32
  }
  func.func @transform_9(%arg0: i32) -> (i32, i32) {
    %c0_i32 = arith.constant 0 : i32
    %c0_i32_0 = arith.constant 0 : i32
    return %arg0, %c0_i32 : i32, i32
  }
}

</mosaic_0001>

<sc_bundles>
// kernel: kernel.5.cloned.1.call-start
scs
__scs_entry_jumppad:
0x0: {  	(pc) =	sbr.rel $0x88, $3  }
0x1: {  	(tag) =	ssettag $0x0;
	lr =	simm.s32 $0x1  }
0x2: {  	[smem:$0x3F9A] =	sst lr;
	_ =	strace $0xD0000000  }
0x3: {  	_ = 	snop  }
0x4: {  	_ = 	snop  }
0x5: {  	_ = 	snop  }
0x6: {  	_ = 	snop  }
0x7: {  	_ = 	snop  }
__scs_overlays_trampoline_lowered:
0x8: {  	[smem:$0x3FA9] =	sst s0  }
0x9: {  	[smem:$0x3FAA] =	sst s1  }
0xa: {  	[smem:$0x3FAB] =	sst s2  }
0xb: {  	[smem:$0x3FAC] =	sst s3  }
0xc: {  	[smem:$0x3FAD] =	sst s4  }
0xd: {  	[smem:$0x3FAE] =	sst s5  }
0xe: {  	[smem:$0x3FAF] =	sst s6  }
0xf: {  	[smem:$0x3FB0] =	sst s7  }
0x10: {  	[smem:$0x3FB1] =	sst s8  }
0x11: {  	[smem:$0x3FB2] =	sst s9;
	s0 =	simm.s32 @!p0 $0x0  }
0x12: {  	s1 =	sld [smem:$0x3F98];
	s0 =	simm.s32 @p0 $0x1  }
0x13: {  	[smem:$0x3FB3] =	sst s0;
	s0 =	simm.s32 @!p1 $0x0  }
0x14: {  	s2 =	sld [smem:$0x3F97];
	s0 =	simm.s32 @p1 $0x1  }
0x15: {  	[smem:$0x3FB4] =	sst s0;
	s0 =	simm.s32 @!p2 $0x0  }
0x16: {  	s3 =	sld [smem:$0x3FDB];
	s0 =	simm.s32 @p2 $0x1  }
0x17: {  	s4 =	simm.s32 $0x1BF5;
	[smem:$0x3FB6] =	sst s0  }
0x18: {  	s0 =	sld [smem:$0x3F99];
	_ =	swait.ge [sflag:s4], $0x0  }
0x19: {  	s7 =	sld [smem:$0x3F9A]  }
0x1a: {  	s8 =	sadd.s32 $0xFFFFE003, lr  }
0x1b: {  	s9 =	sadd.s32 $0xFFFFFEF7, lr;
	s5 =	simm.s32 $0xFFFFFFFF;
	p2 =	slt.u32 s8, $0xFFFFF086  }
0x1c: {  	p1 =	slt.u32 s9, $0xF7A;
	s5 =	simm.s32 @!p2 $0x0  }
0x1d: {  	s5 =	simm.s32 @p1 $0x1;
	p0 =	seq.s32 s7, s2  }
0x1e: {  	s7 =	smul.u32 @!p0 $0xF7A, s2;
	p2 =	seq.s32 @!p0 s5, $0x0  }
0x1f: {  	s9 =	smul.u32 $0xF7A, s1;
	s8 =	simm.s32 @!p0 $0x1BF5;
	p2 =	por !p2, p0  }
0x20: {  	[sflag:s8] =	ssyncset.s32 @!p0 $0xFFFFF086;
	s6 =	sadd.s32 @!p0 s3, s7;
	s7 =	simm.s32 @!p0 $0x108  }
0x21: {  	s3 =	sadd.s32 s3, s9;
	s6 =	sadd.s32 @!p0 $0x88, s6;
	s7 =	simm.s32 @p2 $0x1082  }
0x22: {  	[simem:s7], [sflag:s8] =	dma.local @!p0 [hbm:s6], $0xF7A  }
0x23: {  	s9 =	sor.u32 $0xD0000000, s2;
	s6 =	simm.s32 $0x108;
	_ =	swait.ge @!p0 [sflag:s8], $0x0  }
0x24: {  	s3 =	sadd.s32 $0x88, s3;
	s6 =	simm.s32 @!p1 $0x1082;
	[sflag:s4] =	ssyncset.s32 $0xFFFFF086  }
0x25: {  	[simem:s6], [sflag:s4] =	dma.local [hbm:s3], $0xF7A  }
0x26: {  	[smem:$0x3F9A] =	sst s1;
	(tag) =	ssettag s2;
	_ =	strace s9  }
0x27: {  	s1 =	sld [smem:$0x3FAA]  }
0x28: {  	s2 =	sld [smem:$0x3FAB]  }
0x29: {  	s4 =	sld [smem:$0x3FAD]  }
0x2a: {  	p0 =	seq.s32 s5, $0x0;
	s5 =	sld [smem:$0x3FAE]  }
0x2b: {  	s6 =	sld [smem:$0x3FAF]  }
0x2c: {  	s7 =	sld [smem:$0x3FB0]  }
0x2d: {  	s3 =	simm.s32 $0x108;
	s8 =	sld [smem:$0x3FB1]  }
0x2e: {  	s3 =	simm.s32 @!p0 $0x1082;
	s9 =	sld [smem:$0x3FB2]  }
0x2f: {  	lr =	sadd.s32 s0, s3;
	s0 =	sld [smem:$0x3FA9]  }
0x30: {  	s3 =	sld [smem:$0x3FAC]  }
0x31: {  	[smem:$0x3FB5] =	sst s10  }
0x32: {  	s10 =	sld [smem:$0x3FB3];
	_ =	sdelay $0x3  }
0x33: {  	p0 =	seq.s32 s10, $0x1;
	s10 =	sld [smem:$0x3FB5];
	_ =	sdelay $0x3  }
0x34: {  	[smem:$0x3FB5] =	sst s10  }
0x35: {  	s10 =	sld [smem:$0x3FB4];
	_ =	sdelay $0x3  }
0x36: {  	p1 =	seq.s32 s10, $0x1;
	s10 =	sld [smem:$0x3FB5];
	_ =	sdelay $0x3  }
0x37: {  	[smem:$0x3FB5] =	sst s10  }
0x38: {  	s10 =	sld [smem:$0x3FB6]  }
0x39: {  	_ = 	snop;
	(pc) =	sbr.ind lr, $3  }
0x3a: {  	_ = 	snop  }
0x3b: {  	_ = 	snop  }
0x3c: {  	p2 =	seq.s32 s10, $0x1;
	s10 =	sld [smem:$0x3FB5]  }
0x3d: {  	_ =	shalt  }
0x3e: {  	_ =	shalt  }
0x3f: {  	_ =	shalt  }
0x40: {  	_ =	shalt  }
0x41: {  	_ =	shalt  }
0x42: {  	_ =	shalt  }
0x43: {  	_ =	shalt  }
0x44: {  	_ =	shalt  }
0x45: {  	_ =	shalt  }
0x46: {  	_ =	shalt  }
0x47: {  	_ =	shalt  }
0x48: {  	_ =	shalt  }
0x49: {  	_ =	shalt  }
0x4a: {  	_ =	shalt  }
0x4b: {  	_ =	shalt  }
0x4c: {  	_ =	shalt  }
0x4d: {  	_ =	shalt  }
0x4e: {  	_ =	shalt  }
0x4f: {  	_ =	shalt  }
0x50: {  	_ =	shalt  }
0x51: {  	_ =	shalt  }
0x52: {  	_ =	shalt  }
0x53: {  	_ =	shalt  }
0x54: {  	_ =	shalt  }
0x55: {  	_ =	shalt  }
0x56: {  	_ =	shalt  }
0x57: {  	_ =	shalt  }
0x58: {  	_ =	shalt  }
0x59: {  	_ =	shalt  }
0x5a: {  	_ =	shalt  }
0x5b: {  	_ =	shalt  }
0x5c: {  	_ =	shalt  }
0x5d: {  	_ =	shalt  }
0x5e: {  	_ =	shalt  }
0x5f: {  	_ =	shalt  }
0x60: {  	_ =	shalt  }
0x61: {  	_ =	shalt  }
0x62: {  	_ =	shalt  }
0x63: {  	_ =	shalt  }
0x64: {  	_ =	shalt  }
0x65: {  	_ =	shalt  }
0x66: {  	_ =	shalt  }
0x67: {  	_ =	shalt  }
0x68: {  	_ =	shalt  }
0x69: {  	_ =	shalt  }
0x6a: {  	_ =	shalt  }
0x6b: {  	_ =	shalt  }
0x6c: {  	_ =	shalt  }
0x6d: {  	_ =	shalt  }
0x6e: {  	_ =	shalt  }
0x6f: {  	_ =	shalt  }
0x70: {  	_ =	shalt  }
0x71: {  	_ =	shalt  }
0x72: {  	_ =	shalt  }
0x73: {  	_ =	shalt  }
0x74: {  	_ =	shalt  }
0x75: {  	_ =	shalt  }
0x76: {  	_ =	shalt  }
0x77: {  	_ =	shalt  }
0x78: {  	_ =	shalt  }
0x79: {  	_ =	shalt  }
0x7a: {  	_ =	shalt  }
0x7b: {  	_ =	shalt  }
0x7c: {  	_ =	shalt  }
0x7d: {  	_ =	shalt  }
0x7e: {  	_ =	shalt  }
0x7f: {  	_ =	shalt  }
0x80: {  	_ =	shalt  }
0x81: {  	_ =	shalt  }
0x82: {  	_ =	shalt  }
0x83: {  	_ =	shalt  }
0x84: {  	_ =	shalt  }
0x85: {  	_ =	shalt  }
0x86: {  	_ =	shalt  }
0x87: {  	_ =	shalt  }
.Lfunc_end0:
.L_simem_size_0:
called_computation.3_lowered:
.L_overlay_start_0:
0x88: {  	s2 =	sld [smem:$0x3FD9]  }
0x89: {  	s3 =	sld [smem:$0x3FFE];
	_ =	sdelay $0x1  }
0x8a: {  	s1 =	srdreg.scid  }
0x8b: {  	s0 =	sand.u32 $0x1, s1  }
0x8c: {  	s17 =	sshll.u32 s0, $0xA;
	s2 =	sadd.s32 s3, s2  }
0x8d: {  	s2 =	sadd.s32 s2, s17  }
0x8e: {  	[smem:$0x3FC1] =	sst s2  }
0x8f: {  	_ = 	snop  }
0x90: {  	(tm) =	ssettm $0x1  }
0x91: {  	s18 =	sld [smem:$0x3FFB];
	_ =	sdelay $0x3  }
0x92: {  	_ =	strace s18  }
0x93: {  	s2 =	sld [smem:$0x3FFC];
	_ =	sdelay $0x3  }
0x94: {  	_ =	strace s2  }
0x95: {  	s2 =	sld [smem:$0x3FFD];
	_ =	sdelay $0x3  }
0x96: {  	_ =	strace s2  }
0x97: {  	_ =	strace $0x8FFFFFFF  }
0x98: {  	s19 =	sld [smem:$0x3FDB];
	_ =	sdelay $0x1  }
0x99: {  	s20 =	simm.s32 $_scs_section_size  }
0x9a: {  	s4 =	simm.s32 $_size__tile_overlayer_lowered;
	s5 =	simm.s32 $_tile_overlayer_lowered  }
0x9b: {  	s6 =	simm.s32 $0x1BFF;
	s21 =	sshll.u32 s5, $0x1;
	s3 =	sadd.s32 s20, s19  }
0x9c: {  	s22 =	simm.s32 $0x0;
	s4 =	sshll.u32 s4, $0x1;
	s5 =	sadd.s32 s21, s3  }
0x9d: {  	[timem:s22], [sflag:s6] =	dma.local [hbm:s5], s4  }
0x9e: {  	_ =	swait.ge [sflag:s6], s4  }
0x9f: {  	s4 =	ssub.s32 $0x0, s4;
	[sflag:s6] =	ssyncset.done $0x0  }
0xa0: {  	[sflag:s6] =	ssyncadd.s32 s4;
	_ =	sdelay $0x1  }
0xa1: {  	s23 =	simm.s32 $0x1B8B  }
0xa2: {  	_ =	swait.ge [sflag:s23], $0x1  }
0xa3: {  	[sflag:s23] =	ssyncset.done $0x0  }
0xa4: {  	[sflag:s23] =	ssyncadd.s32 $0xFFFFFFFF  }
0xa5: {  	s4 =	sld [smem:$0x0]  }
0xa6: {  	s5 =	sand.u32 $0xFFFFFFFE, s1  }
0xa7: {  	p0 =	sne.s32 s1, s5  }
0xa8: {  	s5 =	sshll.u32 @p0 s5, $0xE  }
0xa9: {  	s5 =	sadd.s32 @p0 $0x11B8D, s5;
	s6 =	sshll.u32 @p0 s4, $0x11  }
0xaa: {  	s5 =	sor.u32 @p0 s6, s5  }
0xab: {  	[sflag:s5] =	ssyncadd.remote.s32 @p0 $0x1;
	_ =	sdelay $0x1  }
0xac: {  	s5 =	simm.s32 @p0 $0x1B8D  }
0xad: {  	_ =	swait.eq @p0 [sflag:s5], $0x1  }
0xae: {  	[sflag:s5] =	ssyncadd.s32 @p0 $0xFFFFFFFF  }
0xaf: {  	s6 =	sshll.u32 @!p0 s1, $0xE  }
0xb0: {  	s6 =	sor.u32 @!p0 $0x4000, s6;
	s5 =	simm.s32 @!p0 $0x1B8D  }
0xb1: {  	s4 =	sshll.u32 @!p0 s4, $0x11;
	s6 =	sadd.s32 @!p0 $0x11B8D, s6;
	_ =	swait.eq @!p0 [sflag:s5], $0x1  }
0xb2: {  	s4 =	sor.u32 @!p0 s4, s6;
	[sflag:s5] =	ssyncadd.s32 @!p0 $0xFFFFFFFF  }
0xb3: {  	s25 =	simm.s32 $0x1B8E;
	s24 =	sld [smem:$0x3FFE];
	[sflag:s4] =	ssyncadd.remote.s32 @!p0 $0x1  }
0xb4: {  	s26 =	simm.s32 $execute0_lowered;
	[smem:$0x3FD2] =	sst s25  }
0xb5: {  	s5 =	sshll.u32 s26, $0x1;
	_ =	strace $0x8000004F;
	[dreg:$0x1] =	wrdreg $0xFFFFFFFF  }
0xb6: {  	s28 =	simm.s32 $_size_execute0_lowered;
	s3 =	sadd.s32 s3, s5;
	[dreg:$0x0] =	wrdreg $0x0  }
0xb7: {  	s5 =	sshll.u32 s28, $0x1;
	[dreg:$0x2] =	wrdreg s3  }
0xb8: {  	[dreg:$0x3] =	wrdreg s5  }
0xb9: {  	[dreg:$0x4] =	wrdreg $0xC0  }
0xba: {  	_ =	task [dreg:s22], $0x5FFFF  }
0xbb: {  	[dreg:$0x1] =	wrdreg $0xFFFFFFFF  }
0xbc: {  	[dreg:$0x0] =	wrdreg $0x60  }
0xbd: {  	[dreg:$0x2] =	wrdreg s24  }
0xbe: {  	[dreg:$0x3] =	wrdreg $0x9  }
0xbf: {  	_ =	task.clear_ibuf [dreg:s22], $0x4FFFF;
	_ =	strace $0x9000004F  }
0xc0: {  	s29 =	simm.s32 $0x9;
	_ =	strace $0x80000051  }
0xc1: {  	_ =	swait.ge [sflag:s29], $0x1  }
0xc2: {  	[sflag:s29] =	ssyncadd.s32 $0xFFFFFFFF  }
0xc3: {  	_ =	strace $0x90000051  }
0xc4: {  	_ =	sfence  }
0xc5: {  	s30 =	sld [smem:$0x0];
	_ =	sdelay $0x2  }
0xc6: {  	s31 =	sshll.u32 s1, $0xD;
	s1 =	sshrl.u32 s1, $0x2  }
0xc7: {  	s4 =	sand.u32 $0x4000, s31;
	s1 =	sadd.s32 s1, s30  }
0xc8: {  	s0 =	sor.u32 s4, s0;
	s1 =	sshll.u32 s1, $0x11  }
0xc9: {  	s0 =	sor.u32 s1, s0  }
0xca: {  	s0 =	sadd.s32 $0x8F2B, s0  }
0xcb: {  	[sflag:s0] =	ssyncadd.remote.s32 $0x1  }
0xcc: {  	_ =	sfence.sel $0xFFFF  }
0xcd: {  	[dreg:$0x0] =	wrdreg $0xFFFFFFFF;
	(pc) =	sbr.abs _section_cstart, $3  }
0xce: {  	[dreg:$0x1] =	wrdreg $0xFFFFFFFF  }
0xcf: {  	_ =	task.clear_ibuf [dreg:s22], $0x2FFFF;
	_ =	strace $0x9FFFFFFF  }
0xd0: {  	(tm) =	ssettm $0x7FFFFFFF  }
0xd1: {  	_ =	shalt  }
tec
execute0_lowered:
.L_overlay_start_1:
0x0: {  	(tag) =	ssettag $0x1  }
0x1: {  	s0 =	rddreg [dreg:$0x0];
	s1 =	simm.s32 $0x0  }
0x2: {  	[smem:$0x7FF] =	sst s1;
	s2 =	sadd.s32 $0x7BB800, s0  }
0x3: {  	s15 =	sadd.s32 $0x81D280, s0;
	_ =	strace $0x80000050;
	[dreg:$0x2] =	wrdreg s2  }
0x4: {  	s16 =	sadd.s32 $0x87ED00, s0;
	[dreg:$0x3] =	wrdreg s15  }
0x5: {  	s17 =	sadd.s32 $0x8E0780, s0;
	[dreg:$0x4] =	wrdreg s16  }
0x6: {  	s18 =	sadd.s32 $0x942200, s0;
	[dreg:$0x5] =	wrdreg s17  }
0x7: {  	s4 =	stileid.u32;
	s19 =	sadd.s32 $0x9A3C80, s0;
	[dreg:$0x6] =	wrdreg s18  }
0x8: {  	s5 =	srdreg.scid;
	s20 =	sadd.s32 $0xA05700, s0;
	[dreg:$0x7] =	wrdreg s19  }
0x9: {  	s12 =	simm.s32 $0x100;
	s21 =	sadd.s32 $0xA67180, s0;
	[dreg:$0x8] =	wrdreg s20  }
0xa: {  	s13 =	simm.s32 $0x180;
	s22 =	sadd.s32 $0xAC8C00, s0;
	[dreg:$0x9] =	wrdreg s21  }
0xb: {  	s14 =	simm.s32 $0x2800;
	s23 =	sadd.s32 $0xB2A680, s0;
	[dreg:$0xa] =	wrdreg s22  }
0xc: {  	s28 =	simm.s32 $0x2;
	s24 =	sadd.s32 $0xB8C100, s0;
	[dreg:$0xb] =	wrdreg s23  }
0xd: {  	s3 =	smul.u32 $0x2800, s4;
	s25 =	sadd.s32 $0xBEDB80, s0;
	[dreg:$0xc] =	wrdreg s24  }
0xe: {  	s4 =	smul.u32 $0x50000, s4;
	s26 =	sadd.s32 $0xC4F600, s0;
	[dreg:$0xd] =	wrdreg s25  }
0xf: {  	s5 =	sand.u32 $0x1, s5;
	s29 =	sadd.s32 $0xCB1080, s0;
	[dreg:$0xe] =	wrdreg s26  }
0x10: {  	s31 =	simm.s32 $0x800;
	s30 =	smul.u32 $0x28000, s5;
	[dreg:$0xf] =	wrdreg s29  }
0x11: {  	s6 =	ssub.s32 $0x2, s5;
	s5 =	smul.u32 $0x1400, s5;
	[dreg:$0x13] =	wrdreg s12  }
0x12: {  	s18 =	simm.s32 $0x800;
	[dreg:$0x14] =	wrdreg s13;
	s16 =	simm.s32 $0x3800  }
0x13: {  	s20 =	simm.s32 $0x4800;
	s15 =	simm.s32 $0x280;
	s17 =	simm.s32 $0x300  }
0x14: {  	s13 =	simm.s32 $0x6800;
	s19 =	simm.s32 $0x380;
	[dreg:$0x15] =	wrdreg s15  }
0x15: {  	s21 =	simm.s32 $0x400;
	s22 =	simm.s32 $0x480;
	[dreg:$0x16] =	wrdreg s17  }
0x16: {  	s23 =	simm.s32 $0x500;
	s24 =	simm.s32 $0x580;
	[dreg:$0x17] =	wrdreg s19  }
0x17: {  	s25 =	simm.s32 $0x600;
	s26 =	simm.s32 $0x680;
	[dreg:$0x18] =	wrdreg s21  }
0x18: {  	s29 =	simm.s32 $0x700;
	s12 =	simm.s32 $0x1;
	[dreg:$0x19] =	wrdreg s22  }
0x19: {  	s2 =	simm.s32 $0x0;
	s3 =	sadd.s32 s3, s0;
	[dreg:$0x1a] =	wrdreg s23  }
0x1a: {  	s4 =	sadd.s32 s4, s0;
	s7 =	sshrl.u32 s6, $0x1;
	[dreg:$0x1b] =	wrdreg s24  }
0x1b: {  	s15 =	simm.s32 $0x5800;
	s21 =	simm.s32 $0x8800;
	[dreg:$0x1c] =	wrdreg s25  }
0x1c: {  	s22 =	simm.s32 $0x9800;
	s23 =	simm.s32 $0xA800;
	[dreg:$0x1d] =	wrdreg s26  }
0x1d: {  	s17 =	simm.s32 $0xC800;
	s19 =	simm.s32 $0xD800;
	[dreg:$0x1e] =	wrdreg s29  }
0x1e: {  	s24 =	simm.s32 $0xE800;
	s6 =	ssub.s32 s6, s7;
	s7 =	sadd.s32 $0xD12B00, s0  }
0x1f: {  	s26 =	simm.s32 $0xF800;
	s0 =	sadd.s32 $0xD74580, s0;
	[dreg:$0x10] =	wrdreg s7  }
0x20: {  	s8 =	sadd.s32 s30, s4;
	s30 =	simm.s32 $0x780;
	[dreg:$0x11] =	wrdreg s0  }
0x21: {  	s25 =	simm.s32 $0x20;
	s6 =	smax.u32 s6, $0x1;
	[dreg:$0x1f] =	wrdreg s30  }
0x22: {  	s10 =	sadd.s32 s5, s3;
	s9 =	sadd.s32 $0xDD6000, s8;
	[smem:$0x7FC] =	sst s6  }
0x23: {  	s5 =	simm.s32 $0x3;
	s11 =	sadd.s32 $0x793800, s10;
	[dreg:$0x12] =	wrdreg s9  }
0x24: {  	s10 =	simm.s32 $0x7800;
	s8 =	simm.s32 $0xB800;
	[smem:$0x7FD] =	sst s11  }
0x25: {  	s6 =	simm.s32 $0x80;
	s9 =	simm.s32 $0x1800;
	s11 =	simm.s32 $0x200  }
.LBB2_1:
0x26: {  	s7 =	sld [smem:$0x7FD];
	_ =	sdelay $0x1  }
0x27: {  	[smem:$0x7FB] =	sst s2  }
0x28: {  	[tilespmem:s1], [sflag:$0x3] =	stream.linear.gather [hbm4b:s7+s1], $0x800, $0x38;
	[tilespmem:$0x10800] =	vst v63  }
0x29: {  	_ =	swait.ge [sflag:s5], $0x800  }
0x2a: {  	s0 =	rddreg [dreg:$0x1e]  }
0x2b: {  	s2 =	rddreg [dreg:$0x3]  }
0x2c: {  	s3 =	rddreg [dreg:$0x2]  }
0x2d: {  	[sflag:s5] =	ssyncset.done $0x0;
	s4 =	rddreg [dreg:$0x13]  }
0x2e: {  	s29 =	rddreg [dreg:$0x14];
	[sflag:s5] =	ssyncadd.s32 $0xFFFFF800  }
0x2f: {  	[tilespmem:s18], [sflag:$0x1] =	stream.indirect.gather [hbm4b:s3+s6], $0x20, s1, s6, $0xb8;
	[tilespmem:$0x10800] =	vst v63  }
0x30: {  	s1 =	rddreg [dreg:$0x4]  }
0x31: {  	s3 =	rddreg [dreg:$0x16]  }
0x32: {  	[tilespmem:s9], [sflag:$0x1] =	stream.indirect.gather [hbm4b:s2+s6], $0x20, s6, s6, $0xb8;
	[tilespmem:$0x10800] =	vst v63  }
0x33: {  	s2 =	rddreg [dreg:$0x5]  }
0x34: {  	[tilespmem:s14], [sflag:$0x1] =	stream.indirect.gather [hbm4b:s1+s6], $0x20, s4, s6, $0xb8;
	[tilespmem:$0x10800] =	vst v63  }
0x35: {  	s1 =	rddreg [dreg:$0x6]  }
0x36: {  	s4 =	rddreg [dreg:$0x18]  }
0x37: {  	[tilespmem:s16], [sflag:$0x1] =	stream.indirect.gather [hbm4b:s2+s6], $0x20, s29, s6, $0xb8;
	[tilespmem:$0x10800] =	vst v63  }
0x38: {  	s2 =	rddreg [dreg:$0x15]  }
0x39: {  	s29 =	rddreg [dreg:$0x7]  }
0x3a: {  	[tilespmem:s20], [sflag:$0x1] =	stream.indirect.gather [hbm4b:s1+s6], $0x20, s11, s6, $0xb8;
	[tilespmem:$0x10800] =	vst v63  }
0x3b: {  	s1 =	rddreg [dreg:$0x8]  }
0x3c: {  	[tilespmem:s15], [sflag:$0x1] =	stream.indirect.gather [hbm4b:s29+s6], $0x20, s2, s6, $0xb8;
	[tilespmem:$0x10800] =	vst v63  }
0x3d: {  	s2 =	rddreg [dreg:$0x17]  }
0x3e: {  	s29 =	rddreg [dreg:$0x9]  }
0x3f: {  	[tilespmem:s13], [sflag:$0x1] =	stream.indirect.gather [hbm4b:s1+s6], $0x20, s3, s6, $0xb8;
	[tilespmem:$0x10800] =	vst v63  }
0x40: {  	s1 =	rddreg [dreg:$0xa]  }
0x41: {  	[tilespmem:s10], [sflag:$0x1] =	stream.indirect.gather [hbm4b:s29+s6], $0x20, s2, s6, $0xb8;
	[tilespmem:$0x10800] =	vst v63  }
0x42: {  	s2 =	rddreg [dreg:$0x19]  }
0x43: {  	s29 =	rddreg [dreg:$0xb]  }
0x44: {  	[tilespmem:s21], [sflag:$0x1] =	stream.indirect.gather [hbm4b:s1+s6], $0x20, s4, s6, $0xb8;
	[tilespmem:$0x10800] =	vst v63  }
0x45: {  	s4 =	rddreg [dreg:$0x1a]  }
0x46: {  	s1 =	rddreg [dreg:$0xc]  }
0x47: {  	[tilespmem:s22], [sflag:$0x1] =	stream.indirect.gather [hbm4b:s29+s6], $0x20, s2, s6, $0xb8;
	[tilespmem:$0x10800] =	vst v63  }
0x48: {  	s2 =	rddreg [dreg:$0x1b]  }
0x49: {  	s29 =	rddreg [dreg:$0xd]  }
0x4a: {  	[tilespmem:s23], [sflag:$0x1] =	stream.indirect.gather [hbm4b:s1+s6], $0x20, s4, s6, $0xb8;
	[tilespmem:$0x10800] =	vst v63  }
0x4b: {  	s23 =	rddreg [dreg:$0x1c]  }
0x4c: {  	s1 =	rddreg [dreg:$0xe]  }
0x4d: {  	[tilespmem:s8], [sflag:$0x1] =	stream.indirect.gather [hbm4b:s29+s6], $0x20, s2, s6, $0xb8;
	[tilespmem:$0x10800] =	vst v63  }
0x4e: {  	s8 =	rddreg [dreg:$0x1d]  }
0x4f: {  	s29 =	rddreg [dreg:$0xf]  }
0x50: {  	[tilespmem:s17], [sflag:$0x1] =	stream.indirect.gather [hbm4b:s1+s6], $0x20, s23, s6, $0xb8;
	[tilespmem:$0x10800] =	vst v63  }
0x51: {  	s17 =	rddreg [dreg:$0x1f]  }
0x52: {  	[tilespmem:s19], [sflag:$0x1] =	stream.indirect.gather [hbm4b:s29+s6], $0x20, s8, s6, $0xb8;
	[tilespmem:$0x10800] =	vst v63  }
0x53: {  	s23 =	rddreg [dreg:$0x10]  }
0x54: {  	[tilespmem:s24], [sflag:$0x1] =	stream.indirect.gather [hbm4b:s23+s6], $0x20, s0, s6, $0xb8;
	[tilespmem:$0x10800] =	vst v63  }
0x55: {  	s1 =	rddreg [dreg:$0x11]  }
0x56: {  	[tilespmem:s26], [sflag:$0x1] =	stream.indirect.gather [hbm4b:s1+s6], $0x20, s17, s6, $0xb8;
	[tilespmem:$0x10800] =	vst v63  }
0x57: {  	_ =	swait.ge [sflag:s12], $0x10000  }
0x58: {  	s4 =	rddreg [dreg:$0x12];
	[sflag:s12] =	ssyncset.done $0x0  }
0x59: {  	[sflag:s12] =	ssyncadd.s32 $0xFFFF0000;
	s0 =	sadd.s32 $0x0, s4  }
0x5a: {  	[hbm4b:s0+s25] =	stream.strided.scatter [tilespmem:s18], [sflag:$0x2], $0x1000, s11, s25, $0x38;
	[tilespmem:$0x10800] =	vst v63  }
0x5b: {  	s8 =	sadd.s32 $0x4, s0  }
0x5c: {  	[hbm4b:s8+s25] =	stream.strided.scatter [tilespmem:s9], [sflag:$0x2], $0x1000, s11, s25, $0x38;
	[tilespmem:$0x10800] =	vst v63  }
0x5d: {  	s12 =	sadd.s32 $0x8, s0  }
0x5e: {  	[hbm4b:s12+s25] =	stream.strided.scatter [tilespmem:s14], [sflag:$0x2], $0x1000, s11, s25, $0x38;
	[tilespmem:$0x10800] =	vst v63  }
0x5f: {  	s17 =	sadd.s32 $0xC, s0  }
0x60: {  	[hbm4b:s17+s25] =	stream.strided.scatter [tilespmem:s16], [sflag:$0x2], $0x1000, s11, s25, $0x38;
	[tilespmem:$0x10800] =	vst v63  }
0x61: {  	s18 =	sadd.s32 $0x10, s0  }
0x62: {  	[hbm4b:s18+s25] =	stream.strided.scatter [tilespmem:s20], [sflag:$0x2], $0x1000, s11, s25, $0x38;
	[tilespmem:$0x10800] =	vst v63  }
0x63: {  	s19 =	sadd.s32 $0x14, s0  }
0x64: {  	[hbm4b:s19+s25] =	stream.strided.scatter [tilespmem:s15], [sflag:$0x2], $0x1000, s11, s25, $0x38;
	[tilespmem:$0x10800] =	vst v63  }
0x65: {  	s20 =	sadd.s32 $0x18, s0  }
0x66: {  	[hbm4b:s20+s25] =	stream.strided.scatter [tilespmem:s13], [sflag:$0x2], $0x1000, s11, s25, $0x38;
	[tilespmem:$0x10800] =	vst v63  }
0x67: {  	s23 =	sadd.s32 $0x1C, s0  }
0x68: {  	[hbm4b:s23+s25] =	stream.strided.scatter [tilespmem:s10], [sflag:$0x2], $0x1000, s11, s25, $0x38;
	[tilespmem:$0x10800] =	vst v63  }
0x69: {  	s30 =	sadd.s32 $0x100, s7;
	s29 =	simm.s32 $0x2000;
	s24 =	sadd.s32 $0x20, s0  }
0x6a: {  	[hbm4b:s24+s25] =	stream.strided.scatter [tilespmem:s21], [sflag:$0x2], $0x1000, s11, s25, $0x38;
	[tilespmem:$0x10800] =	vst v63  }
0x6b: {  	s26 =	sadd.s32 $0x24, s0;
	s2 =	sadd.s32 $0x2C, s0;
	s3 =	sadd.s32 $0x28, s0  }
0x6c: {  	[hbm4b:s26+s25] =	stream.strided.scatter [tilespmem:s22], [sflag:$0x2], $0x1000, s11, s25, $0x38;
	[tilespmem:$0x10800] =	vst v63  }
.LBB2_2:
0x6d: {  	s1 =	simm.s32 $0xA800;
	s17 =	smov.u32 s29  }
0x6e: {  	[hbm4b:s3+s25] =	stream.strided.scatter [tilespmem:s1], [sflag:$0x2], $0x1000, s11, s25, $0x38;
	[tilespmem:$0x10800] =	vst v63  }
0x6f: {  	[smem:$0x7FA] =	sst s17;
	s17 =	simm.s32 $0xB800  }
0x70: {  	[hbm4b:s2+s25] =	stream.strided.scatter [tilespmem:s17], [sflag:$0x2], $0x1000, s11, s25, $0x38;
	[tilespmem:$0x10800] =	vst v63  }
0x71: {  	s18 =	sadd.s32 $0x30, s0;
	s19 =	simm.s32 $0xC800  }
0x72: {  	[hbm4b:s18+s25] =	stream.strided.scatter [tilespmem:s19], [sflag:$0x2], $0x1000, s11, s25, $0x38;
	[tilespmem:$0x10800] =	vst v63  }
0x73: {  	s20 =	sadd.s32 $0x34, s0;
	s24 =	simm.s32 $0xD800  }
0x74: {  	[hbm4b:s20+s25] =	stream.strided.scatter [tilespmem:s24], [sflag:$0x2], $0x1000, s11, s25, $0x38;
	[tilespmem:$0x10800] =	vst v63  }
0x75: {  	s21 =	sadd.s32 $0x38, s0;
	s26 =	simm.s32 $0xE800  }
0x76: {  	[hbm4b:s21+s25] =	stream.strided.scatter [tilespmem:s26], [sflag:$0x2], $0x1000, s11, s25, $0x38;
	[tilespmem:$0x10800] =	vst v63  }
0x77: {  	s22 =	sadd.s32 $0x3C, s0;
	s23 =	simm.s32 $0xF800  }
0x78: {  	[hbm4b:s22+s25] =	stream.strided.scatter [tilespmem:s23], [sflag:$0x2], $0x1000, s11, s25, $0x38;
	[tilespmem:$0x10800] =	vst v63  }
0x79: {  	_ =	swait.ge [sflag:s28], $0x10000  }
0x7a: {  	[sflag:s28] =	ssyncset.done $0x0  }
0x7b: {  	s0 =	simm.s32 $0x0;
	[sflag:s28] =	ssyncadd.s32 $0xFFFF0000  }
0x7c: {  	[tilespmem:s0], [sflag:$0x3] =	stream.linear.gather [hbm4b:s30+s0], $0x800, $0x38;
	[tilespmem:$0x10800] =	vst v63  }
0x7d: {  	_ =	swait.ge [sflag:s5], $0x800  }
0x7e: {  	s18 =	rddreg [dreg:$0x1e]  }
0x7f: {  	s2 =	rddreg [dreg:$0x1d]  }
0x80: {  	s3 =	rddreg [dreg:$0x1c]  }
0x81: {  	s4 =	rddreg [dreg:$0x1b]  }
0x82: {  	s28 =	rddreg [dreg:$0x1a]  }
0x83: {  	s1 =	rddreg [dreg:$0x19]  }
0x84: {  	s7 =	rddreg [dreg:$0x18]  }
0x85: {  	s8 =	rddreg [dreg:$0x17]  }
0x86: {  	s9 =	rddreg [dreg:$0x16]  }
0x87: {  	s10 =	rddreg [dreg:$0x15]  }
0x88: {  	s12 =	rddreg [dreg:$0x3]  }
0x89: {  	s13 =	rddreg [dreg:$0x13]  }
0x8a: {  	[sflag:s5] =	ssyncset.done $0x0;
	s14 =	rddreg [dreg:$0x2]  }
0x8b: {  	s15 =	rddreg [dreg:$0x7];
	[sflag:s5] =	ssyncadd.s32 $0xFFFFF800  }
0x8c: {  	[tilespmem:s31], [sflag:$0x1] =	stream.indirect.gather [hbm4b:s14+s6], $0x20, s0, s6, $0xb8;
	[tilespmem:$0x10800] =	vst v63  }
0x8d: {  	s16 =	rddreg [dreg:$0x14];
	s0 =	simm.s32 $0x1800  }
0x8e: {  	[tilespmem:s0], [sflag:$0x1] =	stream.indirect.gather [hbm4b:s12+s6], $0x20, s6, s6, $0xb8;
	[tilespmem:$0x10800] =	vst v63  }
0x8f: {  	s20 =	simm.s32 $0x2800;
	s14 =	rddreg [dreg:$0x4]  }
0x90: {  	[tilespmem:s20], [sflag:$0x1] =	stream.indirect.gather [hbm4b:s14+s6], $0x20, s13, s6, $0xb8;
	[tilespmem:$0x10800] =	vst v63  }
0x91: {  	s21 =	simm.s32 $0x3800;
	s12 =	rddreg [dreg:$0x5]  }
0x92: {  	[tilespmem:s21], [sflag:$0x1] =	stream.indirect.gather [hbm4b:s12+s6], $0x20, s16, s6, $0xb8;
	[tilespmem:$0x10800] =	vst v63  }
0x93: {  	s0 =	rddreg [dreg:$0x6];
	s20 =	simm.s32 $0x4800  }
0x94: {  	[tilespmem:s20], [sflag:$0x1] =	stream.indirect.gather [hbm4b:s0+s6], $0x20, s11, s6, $0xb8;
	[tilespmem:$0x10800] =	vst v63  }
0x95: {  	s22 =	simm.s32 $0x5800;
	s12 =	rddreg [dreg:$0x1f]  }
0x96: {  	[tilespmem:s22], [sflag:$0x1] =	stream.indirect.gather [hbm4b:s15+s6], $0x20, s10, s6, $0xb8;
	[tilespmem:$0x10800] =	vst v63  }
0x97: {  	s23 =	simm.s32 $0x6800;
	s0 =	rddreg [dreg:$0x8]  }
0x98: {  	[tilespmem:s23], [sflag:$0x1] =	stream.indirect.gather [hbm4b:s0+s6], $0x20, s9, s6, $0xb8;
	[tilespmem:$0x10800] =	vst v63  }
0x99: {  	s5 =	simm.s32 $0x7800;
	s10 =	rddreg [dreg:$0x9]  }
0x9a: {  	[tilespmem:s5], [sflag:$0x1] =	stream.indirect.gather [hbm4b:s10+s6], $0x20, s8, s6, $0xb8;
	[tilespmem:$0x10800] =	vst v63  }
0x9b: {  	s21 =	simm.s32 $0x8800;
	s0 =	rddreg [dreg:$0xa]  }
0x9c: {  	[tilespmem:s21], [sflag:$0x1] =	stream.indirect.gather [hbm4b:s0+s6], $0x20, s7, s6, $0xb8;
	[tilespmem:$0x10800] =	vst v63  }
0x9d: {  	s22 =	simm.s32 $0x9800;
	s23 =	rddreg [dreg:$0xb]  }
0x9e: {  	[tilespmem:s22], [sflag:$0x1] =	stream.indirect.gather [hbm4b:s23+s6], $0x20, s1, s6, $0xb8;
	[tilespmem:$0x10800] =	vst v63  }
0x9f: {  	s9 =	simm.s32 $0xA800;
	s0 =	rddreg [dreg:$0xc]  }
0xa0: {  	[tilespmem:s9], [sflag:$0x1] =	stream.indirect.gather [hbm4b:s0+s6], $0x20, s28, s6, $0xb8;
	[tilespmem:$0x10800] =	vst v63  }
0xa1: {  	s1 =	rddreg [dreg:$0xd]  }
0xa2: {  	[tilespmem:s17], [sflag:$0x1] =	stream.indirect.gather [hbm4b:s1+s6], $0x20, s4, s6, $0xb8;
	[tilespmem:$0x10800] =	vst v63  }
0xa3: {  	s0 =	rddreg [dreg:$0xe]  }
0xa4: {  	[tilespmem:s19], [sflag:$0x1] =	stream.indirect.gather [hbm4b:s0+s6], $0x20, s3, s6, $0xb8;
	[tilespmem:$0x10800] =	vst v63  }
0xa5: {  	s9 =	rddreg [dreg:$0xf]  }
0xa6: {  	[tilespmem:s24], [sflag:$0x1] =	stream.indirect.gather [hbm4b:s9+s6], $0x20, s2, s6, $0xb8;
	[tilespmem:$0x10800] =	vst v63  }
0xa7: {  	s0 =	rddreg [dreg:$0x10]  }
0xa8: {  	[tilespmem:s26], [sflag:$0x1] =	stream.indirect.gather [hbm4b:s0+s6], $0x20, s18, s6, $0xb8;
	[tilespmem:$0x10800] =	vst v63  }
0xa9: {  	s3 =	simm.s32 $0xF800;
	s2 =	rddreg [dreg:$0x11]  }
0xaa: {  	[tilespmem:s3], [sflag:$0x1] =	stream.indirect.gather [hbm4b:s2+s6], $0x20, s12, s6, $0xb8;
	[tilespmem:$0x10800] =	vst v63  }
0xab: {  	s12 =	simm.s32 $0x1  }
0xac: {  	_ =	swait.ge [sflag:s12], $0x10000  }
0xad: {  	s7 =	sld [smem:$0x7FA];
	_ =	sdelay $0x1  }
0xae: {  	s4 =	rddreg [dreg:$0x12];
	[sflag:s12] =	ssyncset.done $0x0  }
0xaf: {  	[sflag:s12] =	ssyncadd.s32 $0xFFFF0000;
	s0 =	sadd.s32 s7, s4  }
0xb0: {  	[hbm4b:s0+s25] =	stream.strided.scatter [tilespmem:s31], [sflag:$0x2], $0x1000, s11, s25, $0x38;
	[tilespmem:$0x10800] =	vst v63  }
0xb1: {  	s18 =	simm.s32 $0x1800;
	s1 =	sadd.s32 $0x4, s0  }
0xb2: {  	[hbm4b:s1+s25] =	stream.strided.scatter [tilespmem:s18], [sflag:$0x2], $0x1000, s11, s25, $0x38;
	[tilespmem:$0x10800] =	vst v63  }
0xb3: {  	p0 =	sne.s32 s29, $0x26000;
	s14 =	simm.s32 $0x2800;
	s9 =	sadd.s32 $0x8, s0  }
0xb4: {  	[hbm4b:s9+s25] =	stream.strided.scatter [tilespmem:s14], [sflag:$0x2], $0x1000, s11, s25, $0x38;
	[tilespmem:$0x10800] =	vst v63  }
0xb5: {  	s29 =	sadd.s32 $0x2000, s29;
	s16 =	simm.s32 $0x3800;
	s7 =	sadd.s32 $0xC, s0  }
0xb6: {  	[hbm4b:s7+s25] =	stream.strided.scatter [tilespmem:s16], [sflag:$0x2], $0x1000, s11, s25, $0x38;
	[tilespmem:$0x10800] =	vst v63  }
0xb7: {  	s30 =	sadd.s32 $0x100, s30;
	s13 =	simm.s32 $0x6800;
	s9 =	sadd.s32 $0x10, s0  }
0xb8: {  	[hbm4b:s9+s25] =	stream.strided.scatter [tilespmem:s20], [sflag:$0x2], $0x1000, s11, s25, $0x38;
	[tilespmem:$0x10800] =	vst v63  }
0xb9: {  	s15 =	simm.s32 $0x5800;
	s5 =	simm.s32 $0x3;
	s18 =	sadd.s32 $0x14, s0  }
0xba: {  	[hbm4b:s18+s25] =	stream.strided.scatter [tilespmem:s15], [sflag:$0x2], $0x1000, s11, s25, $0x38;
	[tilespmem:$0x10800] =	vst v63  }
0xbb: {  	s10 =	simm.s32 $0x7800;
	s8 =	simm.s32 $0xB800;
	s4 =	sadd.s32 $0x18, s0  }
0xbc: {  	[hbm4b:s4+s25] =	stream.strided.scatter [tilespmem:s13], [sflag:$0x2], $0x1000, s11, s25, $0x38;
	[tilespmem:$0x10800] =	vst v63  }
0xbd: {  	s23 =	simm.s32 $0xA800;
	s28 =	simm.s32 $0x2;
	s7 =	sadd.s32 $0x1C, s0  }
0xbe: {  	[hbm4b:s7+s25] =	stream.strided.scatter [tilespmem:s10], [sflag:$0x2], $0x1000, s11, s25, $0x38;
	[tilespmem:$0x10800] =	vst v63  }
.Ltmp0:
0xbf: {  	s17 =	simm.s32 $0xC800;
	s19 =	simm.s32 $0xD800;
	(pc) =	sbr.rel @p0 .LBB2_2-.Ltmp0, $4  }
0xc0: {  	s24 =	simm.s32 $0xE800;
	s26 =	simm.s32 $0xF800;
	s9 =	sadd.s32 $0x20, s0  }
0xc1: {  	[hbm4b:s9+s25] =	stream.strided.scatter [tilespmem:s21], [sflag:$0x2], $0x1000, s11, s25, $0x38;
	[tilespmem:$0x10800] =	vst v63  }
0xc2: {  	s2 =	sadd.s32 $0x2C, s0;
	s3 =	sadd.s32 $0x28, s0;
	s18 =	sadd.s32 $0x24, s0  }
0xc3: {  	[hbm4b:s18+s25] =	stream.strided.scatter [tilespmem:s22], [sflag:$0x2], $0x1000, s11, s25, $0x38;
	[tilespmem:$0x10800] =	vst v63  }
0xc4: {  	[hbm4b:s3+s25] =	stream.strided.scatter [tilespmem:s23], [sflag:$0x2], $0x1000, s11, s25, $0x38;
	[tilespmem:$0x10800] =	vst v63  }
0xc5: {  	_ = 	snop  }
0xc6: {  	[hbm4b:s2+s25] =	stream.strided.scatter [tilespmem:s8], [sflag:$0x2], $0x1000, s11, s25, $0x38;
	[tilespmem:$0x10800] =	vst v63  }
0xc7: {  	s1 =	sadd.s32 $0x30, s0  }
0xc8: {  	[hbm4b:s1+s25] =	stream.strided.scatter [tilespmem:s17], [sflag:$0x2], $0x1000, s11, s25, $0x38;
	[tilespmem:$0x10800] =	vst v63  }
0xc9: {  	s7 =	sadd.s32 $0x34, s0  }
0xca: {  	[hbm4b:s7+s25] =	stream.strided.scatter [tilespmem:s19], [sflag:$0x2], $0x1000, s11, s25, $0x38;
	[tilespmem:$0x10800] =	vst v63  }
0xcb: {  	s9 =	sadd.s32 $0x38, s0  }
0xcc: {  	[hbm4b:s9+s25] =	stream.strided.scatter [tilespmem:s24], [sflag:$0x2], $0x1000, s11, s25, $0x38;
	[tilespmem:$0x10800] =	vst v63  }
0xcd: {  	s18 =	sadd.s32 $0x3C, s0  }
0xce: {  	[hbm4b:s18+s25] =	stream.strided.scatter [tilespmem:s26], [sflag:$0x2], $0x1000, s11, s25, $0x38;
	[tilespmem:$0x10800] =	vst v63  }
0xcf: {  	_ =	swait.ge [sflag:s28], $0x10000  }
0xd0: {  	s29 =	sld [smem:$0x7FB]  }
0xd1: {  	s30 =	sld [smem:$0x7FC];
	_ =	sdelay $0x1  }
0xd2: {  	s2 =	sadd.s32 $0x1, s29  }
0xd3: {  	p0 =	sne.s32 s2, s30  }
.Ltmp1:
0xd4: {  	_ = 	snop;
	(pc) =	sbr.rel @p0 .LBB2_1-.Ltmp1, $3  }
0xd5: {  	_ =	sdelay $0x1  }
0xd6: {  	s1 =	simm.s32 $0x0;
	[sflag:s28] =	ssyncset.done $0x0  }
0xd7: {  	s9 =	simm.s32 $0x1800;
	s18 =	simm.s32 $0x800;
	[sflag:s28] =	ssyncadd.s32 $0xFFFF0000  }
0xd8: {  	_ =	sfence.sel $0x180000  }
0xd9: {  	[bflag:$0x0] =	sbarrier.arrive $0xFFFF  }
0xda: {  	_ =	strace $0x90000050  }
0xdb: {  	s0 =	stileid.u32;
	[bflag:$0x2] =	sbarrier.arrive $0xFFFF  }
0xdc: {  	p0 =	sne.s32 s0, $0x0;
	s0 =	rddreg [dreg:$0x1]  }
0xdd: {  	s0 =	sadd.s32 @!p0 $0x100000, s0  }
0xde: {  	[sflag:s0] =	ssyncadd.tile.s32 @!p0 $0x1;
	_ =	shalt  }
.Lfunc_end2:
_tile_overlayer_lowered:
.L_overlay_start_2:
0xdf: {  	(tag) =	ssettag $0x2  }
0xe0: {  	s0 =	rddreg [dreg:$0x0];
	s2 =	stileid.u32  }
0xe1: {  	s1 =	rddreg [dreg:$0x1];
	p0 =	sne.s32 s2, $0x0  }
0xe2: {  	s3 =	rddreg [dreg:$0x2];
	[bflag:$0x3] =	sbarrier.arrive $0xFFFF;
	s2 =	simm.s32 @!p0 $0x1C03  }
0xe3: {  	[timem:s3], [sflag:s2] =	dma.local @!p0 [hbm:s0], s1  }
0xe4: {  	s0 =	simm.s32 @!p0 $0x3  }
0xe5: {  	_ =	swait.ge @!p0 [sflag:s0], s1  }
0xe6: {  	s1 =	ssub.s32 @!p0 $0x0, s1;
	[sflag:s0] =	ssyncset.done @!p0 $0x0  }
0xe7: {  	[sflag:s0] =	ssyncadd.s32 @!p0 s1  }
0xe8: {  	[bflag:$0x3] =	sbarrier.arrive $0xFFFF  }
0xe9: {  	_ =	shalt  }

// kernel: kernel.8.cloned.1.call-start
scs
__scs_entry_jumppad:
0x0: {  	(pc) =	sbr.rel $0x88, $3  }
0x1: {  	(tag) =	ssettag $0x0;
	lr =	simm.s32 $0x1  }
0x2: {  	[smem:$0x3F9A] =	sst lr;
	_ =	strace $0xD0000000  }
0x3: {  	_ = 	snop  }
0x4: {  	_ = 	snop  }
0x5: {  	_ = 	snop  }
0x6: {  	_ = 	snop  }
0x7: {  	_ = 	snop  }
__scs_overlays_trampoline_lowered:
0x8: {  	[smem:$0x3FA9] =	sst s0  }
0x9: {  	[smem:$0x3FAA] =	sst s1  }
0xa: {  	[smem:$0x3FAB] =	sst s2  }
0xb: {  	[smem:$0x3FAC] =	sst s3  }
0xc: {  	[smem:$0x3FAD] =	sst s4  }
0xd: {  	[smem:$0x3FAE] =	sst s5  }
0xe: {  	[smem:$0x3FAF] =	sst s6  }
0xf: {  	[smem:$0x3FB0] =	sst s7  }
0x10: {  	[smem:$0x3FB1] =	sst s8  }
0x11: {  	[smem:$0x3FB2] =	sst s9;
	s0 =	simm.s32 @!p0 $0x0  }
0x12: {  	s1 =	sld [smem:$0x3F98];
	s0 =	simm.s32 @p0 $0x1  }
0x13: {  	[smem:$0x3FB3] =	sst s0;
	s0 =	simm.s32 @!p1 $0x0  }
0x14: {  	s2 =	sld [smem:$0x3F97];
	s0 =	simm.s32 @p1 $0x1  }
0x15: {  	[smem:$0x3FB4] =	sst s0;
	s0 =	simm.s32 @!p2 $0x0  }
0x16: {  	s3 =	sld [smem:$0x3FDB];
	s0 =	simm.s32 @p2 $0x1  }
0x17: {  	s4 =	simm.s32 $0x1BF5;
	[smem:$0x3FB6] =	sst s0  }
0x18: {  	s0 =	sld [smem:$0x3F99];
	_ =	swait.ge [sflag:s4], $0x0  }
0x19: {  	s7 =	sld [smem:$0x3F9A]  }
0x1a: {  	s8 =	sadd.s32 $0xFFFFE003, lr  }
0x1b: {  	s9 =	sadd.s32 $0xFFFFFEF7, lr;
	s5 =	simm.s32 $0xFFFFFFFF;
	p2 =	slt.u32 s8, $0xFFFFF086  }
0x1c: {  	p1 =	slt.u32 s9, $0xF7A;
	s5 =	simm.s32 @!p2 $0x0  }
0x1d: {  	s5 =	simm.s32 @p1 $0x1;
	p0 =	seq.s32 s7, s2  }
0x1e: {  	s7 =	smul.u32 @!p0 $0xF7A, s2;
	p2 =	seq.s32 @!p0 s5, $0x0  }
0x1f: {  	s9 =	smul.u32 $0xF7A, s1;
	s8 =	simm.s32 @!p0 $0x1BF5;
	p2 =	por !p2, p0  }
0x20: {  	[sflag:s8] =	ssyncset.s32 @!p0 $0xFFFFF086;
	s6 =	sadd.s32 @!p0 s3, s7;
	s7 =	simm.s32 @!p0 $0x108  }
0x21: {  	s3 =	sadd.s32 s3, s9;
	s6 =	sadd.s32 @!p0 $0x88, s6;
	s7 =	simm.s32 @p2 $0x1082  }
0x22: {  	[simem:s7], [sflag:s8] =	dma.local @!p0 [hbm:s6], $0xF7A  }
0x23: {  	s9 =	sor.u32 $0xD0000000, s2;
	s6 =	simm.s32 $0x108;
	_ =	swait.ge @!p0 [sflag:s8], $0x0  }
0x24: {  	s3 =	sadd.s32 $0x88, s3;
	s6 =	simm.s32 @!p1 $0x1082;
	[sflag:s4] =	ssyncset.s32 $0xFFFFF086  }
0x25: {  	[simem:s6], [sflag:s4] =	dma.local [hbm:s3], $0xF7A  }
0x26: {  	[smem:$0x3F9A] =	sst s1;
	(tag) =	ssettag s2;
	_ =	strace s9  }
0x27: {  	s1 =	sld [smem:$0x3FAA]  }
0x28: {  	s2 =	sld [smem:$0x3FAB]  }
0x29: {  	s4 =	sld [smem:$0x3FAD]  }
0x2a: {  	p0 =	seq.s32 s5, $0x0;
	s5 =	sld [smem:$0x3FAE]  }
0x2b: {  	s6 =	sld [smem:$0x3FAF]  }
0x2c: {  	s7 =	sld [smem:$0x3FB0]  }
0x2d: {  	s3 =	simm.s32 $0x108;
	s8 =	sld [smem:$0x3FB1]  }
0x2e: {  	s3 =	simm.s32 @!p0 $0x1082;
	s9 =	sld [smem:$0x3FB2]  }
0x2f: {  	lr =	sadd.s32 s0, s3;
	s0 =	sld [smem:$0x3FA9]  }
0x30: {  	s3 =	sld [smem:$0x3FAC]  }
0x31: {  	[smem:$0x3FB5] =	sst s10  }
0x32: {  	s10 =	sld [smem:$0x3FB3];
	_ =	sdelay $0x3  }
0x33: {  	p0 =	seq.s32 s10, $0x1;
	s10 =	sld [smem:$0x3FB5];
	_ =	sdelay $0x3  }
0x34: {  	[smem:$0x3FB5] =	sst s10  }
0x35: {  	s10 =	sld [smem:$0x3FB4];
	_ =	sdelay $0x3  }
0x36: {  	p1 =	seq.s32 s10, $0x1;
	s10 =	sld [smem:$0x3FB5];
	_ =	sdelay $0x3  }
0x37: {  	[smem:$0x3FB5] =	sst s10  }
0x38: {  	s10 =	sld [smem:$0x3FB6]  }
0x39: {  	_ = 	snop;
	(pc) =	sbr.ind lr, $3  }
0x3a: {  	_ = 	snop  }
0x3b: {  	_ = 	snop  }
0x3c: {  	p2 =	seq.s32 s10, $0x1;
	s10 =	sld [smem:$0x3FB5]  }
0x3d: {  	_ =	shalt  }
0x3e: {  	_ =	shalt  }
0x3f: {  	_ =	shalt  }
0x40: {  	_ =	shalt  }
0x41: {  	_ =	shalt  }
0x42: {  	_ =	shalt  }
0x43: {  	_ =	shalt  }
0x44: {  	_ =	shalt  }
0x45: {  	_ =	shalt  }
0x46: {  	_ =	shalt  }
0x47: {  	_ =	shalt  }
0x48: {  	_ =	shalt  }
0x49: {  	_ =	shalt  }
0x4a: {  	_ =	shalt  }
0x4b: {  	_ =	shalt  }
0x4c: {  	_ =	shalt  }
0x4d: {  	_ =	shalt  }
0x4e: {  	_ =	shalt  }
0x4f: {  	_ =	shalt  }
0x50: {  	_ =	shalt  }
0x51: {  	_ =	shalt  }
0x52: {  	_ =	shalt  }
0x53: {  	_ =	shalt  }
0x54: {  	_ =	shalt  }
0x55: {  	_ =	shalt  }
0x56: {  	_ =	shalt  }
0x57: {  	_ =	shalt  }
0x58: {  	_ =	shalt  }
0x59: {  	_ =	shalt  }
0x5a: {  	_ =	shalt  }
0x5b: {  	_ =	shalt  }
0x5c: {  	_ =	shalt  }
0x5d: {  	_ =	shalt  }
0x5e: {  	_ =	shalt  }
0x5f: {  	_ =	shalt  }
0x60: {  	_ =	shalt  }
0x61: {  	_ =	shalt  }
0x62: {  	_ =	shalt  }
0x63: {  	_ =	shalt  }
0x64: {  	_ =	shalt  }
0x65: {  	_ =	shalt  }
0x66: {  	_ =	shalt  }
0x67: {  	_ =	shalt  }
0x68: {  	_ =	shalt  }
0x69: {  	_ =	shalt  }
0x6a: {  	_ =	shalt  }
0x6b: {  	_ =	shalt  }
0x6c: {  	_ =	shalt  }
0x6d: {  	_ =	shalt  }
0x6e: {  	_ =	shalt  }
0x6f: {  	_ =	shalt  }
0x70: {  	_ =	shalt  }
0x71: {  	_ =	shalt  }
0x72: {  	_ =	shalt  }
0x73: {  	_ =	shalt  }
0x74: {  	_ =	shalt  }
0x75: {  	_ =	shalt  }
0x76: {  	_ =	shalt  }
0x77: {  	_ =	shalt  }
0x78: {  	_ =	shalt  }
0x79: {  	_ =	shalt  }
0x7a: {  	_ =	shalt  }
0x7b: {  	_ =	shalt  }
0x7c: {  	_ =	shalt  }
0x7d: {  	_ =	shalt  }
0x7e: {  	_ =	shalt  }
0x7f: {  	_ =	shalt  }
0x80: {  	_ =	shalt  }
0x81: {  	_ =	shalt  }
0x82: {  	_ =	shalt  }
0x83: {  	_ =	shalt  }
0x84: {  	_ =	shalt  }
0x85: {  	_ =	shalt  }
0x86: {  	_ =	shalt  }
0x87: {  	_ =	shalt  }
.Lfunc_end0:
.L_simem_size_0:
called_computation.4_lowered:
.L_overlay_start_0:
0x88: {  	s2 =	sld [smem:$0x3FD9]  }
0x89: {  	s3 =	sld [smem:$0x3FFE];
	_ =	sdelay $0x1  }
0x8a: {  	s1 =	srdreg.scid  }
0x8b: {  	s0 =	sand.u32 $0x1, s1  }
0x8c: {  	s17 =	sshll.u32 s0, $0xA;
	s2 =	sadd.s32 s3, s2  }
0x8d: {  	s2 =	sadd.s32 s2, s17  }
0x8e: {  	[smem:$0x3FC1] =	sst s2  }
0x8f: {  	_ = 	snop  }
0x90: {  	(tm) =	ssettm $0x1  }
0x91: {  	s18 =	sld [smem:$0x3FFB];
	_ =	sdelay $0x3  }
0x92: {  	_ =	strace s18  }
0x93: {  	s2 =	sld [smem:$0x3FFC];
	_ =	sdelay $0x3  }
0x94: {  	_ =	strace s2  }
0x95: {  	s2 =	sld [smem:$0x3FFD];
	_ =	sdelay $0x3  }
0x96: {  	_ =	strace s2  }
0x97: {  	_ =	strace $0x8FFFFFFF  }
0x98: {  	s19 =	sld [smem:$0x3FDB];
	_ =	sdelay $0x1  }
0x99: {  	s20 =	simm.s32 $_scs_section_size  }
0x9a: {  	s4 =	simm.s32 $_size__tile_overlayer_lowered;
	s5 =	simm.s32 $_tile_overlayer_lowered  }
0x9b: {  	s6 =	simm.s32 $0x1BFF;
	s21 =	sshll.u32 s5, $0x1;
	s3 =	sadd.s32 s20, s19  }
0x9c: {  	s22 =	simm.s32 $0x0;
	s4 =	sshll.u32 s4, $0x1;
	s5 =	sadd.s32 s21, s3  }
0x9d: {  	[timem:s22], [sflag:s6] =	dma.local [hbm:s5], s4  }
0x9e: {  	_ =	swait.ge [sflag:s6], s4  }
0x9f: {  	s4 =	ssub.s32 $0x0, s4;
	[sflag:s6] =	ssyncset.done $0x0  }
0xa0: {  	[sflag:s6] =	ssyncadd.s32 s4;
	_ =	sdelay $0x1  }
0xa1: {  	s23 =	simm.s32 $0x1B8B  }
0xa2: {  	_ =	swait.ge [sflag:s23], $0x1  }
0xa3: {  	[sflag:s23] =	ssyncset.done $0x0  }
0xa4: {  	[sflag:s23] =	ssyncadd.s32 $0xFFFFFFFF  }
0xa5: {  	s4 =	sld [smem:$0x0]  }
0xa6: {  	s5 =	sand.u32 $0xFFFFFFFE, s1  }
0xa7: {  	p0 =	sne.s32 s1, s5  }
0xa8: {  	s5 =	sshll.u32 @p0 s5, $0xE  }
0xa9: {  	s5 =	sadd.s32 @p0 $0x11B8D, s5;
	s6 =	sshll.u32 @p0 s4, $0x11  }
0xaa: {  	s5 =	sor.u32 @p0 s6, s5  }
0xab: {  	[sflag:s5] =	ssyncadd.remote.s32 @p0 $0x1;
	_ =	sdelay $0x1  }
0xac: {  	s5 =	simm.s32 @p0 $0x1B8D  }
0xad: {  	_ =	swait.eq @p0 [sflag:s5], $0x1  }
0xae: {  	[sflag:s5] =	ssyncadd.s32 @p0 $0xFFFFFFFF  }
0xaf: {  	s6 =	sshll.u32 @!p0 s1, $0xE  }
0xb0: {  	s6 =	sor.u32 @!p0 $0x4000, s6;
	s5 =	simm.s32 @!p0 $0x1B8D  }
0xb1: {  	s4 =	sshll.u32 @!p0 s4, $0x11;
	s6 =	sadd.s32 @!p0 $0x11B8D, s6;
	_ =	swait.eq @!p0 [sflag:s5], $0x1  }
0xb2: {  	s4 =	sor.u32 @!p0 s4, s6;
	[sflag:s5] =	ssyncadd.s32 @!p0 $0xFFFFFFFF  }
0xb3: {  	s25 =	simm.s32 $0x1B8E;
	s24 =	sld [smem:$0x3FFE];
	[sflag:s4] =	ssyncadd.remote.s32 @!p0 $0x1  }
0xb4: {  	s26 =	simm.s32 $execute0_lowered;
	[smem:$0x3FD2] =	sst s25  }
0xb5: {  	s5 =	sshll.u32 s26, $0x1;
	_ =	strace $0x8000004C;
	[dreg:$0x1] =	wrdreg $0xFFFFFFFF  }
0xb6: {  	s28 =	simm.s32 $_size_execute0_lowered;
	s3 =	sadd.s32 s3, s5;
	[dreg:$0x0] =	wrdreg $0x0  }
0xb7: {  	s5 =	sshll.u32 s28, $0x1;
	[dreg:$0x2] =	wrdreg s3  }
0xb8: {  	[dreg:$0x3] =	wrdreg s5  }
0xb9: {  	[dreg:$0x4] =	wrdreg $0xC0  }
0xba: {  	_ =	task [dreg:s22], $0x5FFFF  }
0xbb: {  	[dreg:$0x1] =	wrdreg $0xFFFFFFFF  }
0xbc: {  	[dreg:$0x0] =	wrdreg $0x60  }
0xbd: {  	[dreg:$0x2] =	wrdreg s24  }
0xbe: {  	[dreg:$0x3] =	wrdreg $0xA  }
0xbf: {  	_ =	task.clear_ibuf [dreg:s22], $0x4FFFF;
	_ =	strace $0x9000004C  }
0xc0: {  	s29 =	simm.s32 $0xA;
	_ =	strace $0x8000004E  }
0xc1: {  	_ =	swait.ge [sflag:s29], $0x1  }
0xc2: {  	[sflag:s29] =	ssyncadd.s32 $0xFFFFFFFF  }
0xc3: {  	_ =	strace $0x9000004E  }
0xc4: {  	_ =	sfence  }
0xc5: {  	s30 =	sld [smem:$0x0];
	_ =	sdelay $0x2  }
0xc6: {  	s31 =	sshll.u32 s1, $0xD;
	s1 =	sshrl.u32 s1, $0x2  }
0xc7: {  	s4 =	sand.u32 $0x4000, s31;
	s1 =	sadd.s32 s1, s30  }
0xc8: {  	s0 =	sor.u32 s4, s0;
	s1 =	sshll.u32 s1, $0x11  }
0xc9: {  	s0 =	sor.u32 s1, s0  }
0xca: {  	s0 =	sadd.s32 $0x8F2B, s0  }
0xcb: {  	[sflag:s0] =	ssyncadd.remote.s32 $0x1  }
0xcc: {  	_ =	sfence.sel $0xFFFF  }
0xcd: {  	[dreg:$0x0] =	wrdreg $0xFFFFFFFF;
	(pc) =	sbr.abs _section_cstart, $3  }
0xce: {  	[dreg:$0x1] =	wrdreg $0xFFFFFFFF  }
0xcf: {  	_ =	task.clear_ibuf [dreg:s22], $0x2FFFF;
	_ =	strace $0x9FFFFFFF  }
0xd0: {  	(tm) =	ssettm $0x7FFFFFFF  }
0xd1: {  	_ =	shalt  }
tec
execute0_lowered:
.L_overlay_start_1:
0x0: {  	(tag) =	ssettag $0x1  }
0x1: {  	s0 =	rddreg [dreg:$0x0];
	s1 =	simm.s32 $0x0  }
0x2: {  	s2 =	srdreg.scid;
	s30 =	stileid.u32;
	s9 =	simm.s32 $0x80  }
0x3: {  	s10 =	simm.s32 $0x1;
	s11 =	simm.s32 $0x20;
	s12 =	simm.s32 $0x180  }
0x4: {  	s13 =	simm.s32 $0x600;
	s14 =	simm.s32 $0x1600;
	s15 =	simm.s32 $0x2600  }
0x5: {  	s16 =	simm.s32 $0x3600;
	s17 =	simm.s32 $0x4600;
	s18 =	simm.s32 $0x5600  }
0x6: {  	s19 =	simm.s32 $0x6600;
	s20 =	simm.s32 $0x7600;
	s21 =	simm.s32 $0x8600  }
0x7: {  	s22 =	simm.s32 $0x9600;
	s23 =	simm.s32 $0xA600;
	s24 =	simm.s32 $0xB600  }
0x8: {  	s25 =	simm.s32 $0x2;
	[smem:$0x7FF] =	sst s1;
	s5 =	sand.u32 $0x1, s2  }
0x9: {  	s3 =	sadd.s32 $0x319CA00, s0;
	s8 =	sshll.u32 s30, $0x1;
	s6 =	ssub.s32 $0x2, s5  }
0xa: {  	s4 =	sadd.s32 $0x2E00, s0;
	_ =	strace $0x8000004D;
	s7 =	sshrl.u32 s6, $0x1  }
0xb: {  	s31 =	sor.u32 s5, s8;
	s5 =	sadd.s32 $0x3D3800, s0;
	s7 =	ssub.s32 s6, s7  }
0xc: {  	s8 =	simm.s32 $0x3;
	s6 =	smul.u32 $0x14, s31;
	s7 =	smax.u32 s7, $0x1  }
.LBB2_1:
0xd: {  	s26 =	simm.s32 $0x0  }
.LBB2_2:
0xe: {  	s28 =	sadd.s32 s6, s26  }
0xf: {  	s0 =	smul.u32 $0xC0, s28;
	_ =	sdelay $0x1  }
0x10: {  	s30 =	simm.s32 $0x0;
	s2 =	simm.s32 $0xFFFFFFF6;
	s0 =	sadd.s32 s3, s0  }
0x11: {  	[tilespmem:s30], [sflag:$0x3] =	stream.linear.gather [hbm4b:s0+s30], $0x600, $0x38;
	[tilespmem:$0xC600] =	vst v63  }
0x12: {  	s0 =	smin.u32 s30, s2  }
0x13: {  	s0 =	smul.u32 $0x30D400, s0  }
0x14: {  	s29 =	simm.s32 $0x600;
	s31 =	simm.s32 $0x1;
	_ =	swait.ge [sflag:s8], $0x600  }
0x15: {  	s2 =	simm.s32 $0xFFFFFFF7;
	[sflag:s8] =	ssyncset.done $0x0;
	s0 =	sshrl.u32 s0, $0x3  }
0x16: {  	s2 =	smin.u32 s31, s2;
	[sflag:s8] =	ssyncadd.s32 $0xFFFFFA00;
	s0 =	sadd.s32 s4, s0  }
0x17: {  	[tilespmem:s29], [sflag:$0x1] =	stream.indirect.gather [hbm4b:s0+s9], $0x20, s30, s9, $0xb8;
	[tilespmem:$0xC600] =	vst v63  }
0x18: {  	s0 =	smul.u32 $0x30D400, s2;
	_ =	sdelay $0x1  }
0x19: {  	s31 =	simm.s32 $0x2;
	s30 =	simm.s32 $0x80;
	s0 =	sshrl.u32 s0, $0x3  }
.LBB2_3:
0x1a: {  	s2 =	sadd.s32 $0xFFFFFFF6, s31  }
0x1b: {  	s0 =	sadd.s32 s4, s0;
	s29 =	sadd.s32 $0x1000, s29;
	p0 =	sne.s32 s31, $0xB  }
0x1c: {  	[tilespmem:s29], [sflag:$0x1] =	stream.indirect.gather [hbm4b:s0+s9], $0x20, s30, s9, $0xb8;
	[tilespmem:$0xC600] =	vst v63  }
.Ltmp0:
0x1d: {  	_ = 	snop;
	(pc) =	sbr.rel @p0 .LBB2_3-.Ltmp0, $3  }
0x1e: {  	s0 =	smin.u32 s31, s2;
	s31 =	sadd.s32 $0x1, s31  }
0x1f: {  	s0 =	smul.u32 $0x30D400, s0;
	_ =	sdelay $0x1  }
0x20: {  	s30 =	sadd.s32 $0x80, s30;
	s0 =	sshrl.u32 s0, $0x3  }
0x21: {  	s0 =	sadd.s32 s4, s0;
	s2 =	sadd.s32 $0x1000, s29  }
0x22: {  	[tilespmem:s2], [sflag:$0x1] =	stream.indirect.gather [hbm4b:s0+s9], $0x20, s30, s9, $0xb8;
	[tilespmem:$0xC600] =	vst v63  }
0x23: {  	s29 =	smul.u32 $0x1800, s28;
	_ =	swait.ge [sflag:s10], $0xC000  }
0x24: {  	[sflag:s10] =	ssyncset.done $0x0  }
0x25: {  	s0 =	sadd.s32 s5, s29;
	[sflag:s10] =	ssyncadd.s32 $0xFFFF4000  }
0x26: {  	[hbm4b:s0+s11] =	stream.strided.scatter [tilespmem:s13], [sflag:$0x2], $0x1000, s12, s11, $0x38;
	[tilespmem:$0xC600] =	vst v63  }
0x27: {  	s30 =	sadd.s32 $0x4, s0  }
0x28: {  	[hbm4b:s30+s11] =	stream.strided.scatter [tilespmem:s14], [sflag:$0x2], $0x1000, s12, s11, $0x38;
	[tilespmem:$0xC600] =	vst v63  }
0x29: {  	s31 =	sadd.s32 $0x8, s0  }
0x2a: {  	[hbm4b:s31+s11] =	stream.strided.scatter [tilespmem:s15], [sflag:$0x2], $0x1000, s12, s11, $0x38;
	[tilespmem:$0xC600] =	vst v63  }
0x2b: {  	s28 =	sadd.s32 $0xC, s0  }
0x2c: {  	[hbm4b:s28+s11] =	stream.strided.scatter [tilespmem:s16], [sflag:$0x2], $0x1000, s12, s11, $0x38;
	[tilespmem:$0xC600] =	vst v63  }
0x2d: {  	s29 =	sadd.s32 $0x10, s0  }
0x2e: {  	[hbm4b:s29+s11] =	stream.strided.scatter [tilespmem:s17], [sflag:$0x2], $0x1000, s12, s11, $0x38;
	[tilespmem:$0xC600] =	vst v63  }
0x2f: {  	s30 =	sadd.s32 $0x14, s0  }
0x30: {  	[hbm4b:s30+s11] =	stream.strided.scatter [tilespmem:s18], [sflag:$0x2], $0x1000, s12, s11, $0x38;
	[tilespmem:$0xC600] =	vst v63  }
0x31: {  	s31 =	sadd.s32 $0x18, s0  }
0x32: {  	[hbm4b:s31+s11] =	stream.strided.scatter [tilespmem:s19], [sflag:$0x2], $0x1000, s12, s11, $0x38;
	[tilespmem:$0xC600] =	vst v63  }
0x33: {  	s28 =	sadd.s32 $0x1C, s0  }
0x34: {  	[hbm4b:s28+s11] =	stream.strided.scatter [tilespmem:s20], [sflag:$0x2], $0x1000, s12, s11, $0x38;
	[tilespmem:$0xC600] =	vst v63  }
0x35: {  	s29 =	sadd.s32 $0x20, s0  }
0x36: {  	[hbm4b:s29+s11] =	stream.strided.scatter [tilespmem:s21], [sflag:$0x2], $0x1000, s12, s11, $0x38;
	[tilespmem:$0xC600] =	vst v63  }
0x37: {  	s26 =	sadd.s32 $0x1, s26;
	s30 =	sadd.s32 $0x24, s0  }
0x38: {  	[hbm4b:s30+s11] =	stream.strided.scatter [tilespmem:s22], [sflag:$0x2], $0x1000, s12, s11, $0x38;
	[tilespmem:$0xC600] =	vst v63  }
0x39: {  	p0 =	sne.s32 s26, $0x14;
	s31 =	sadd.s32 $0x28, s0  }
0x3a: {  	[hbm4b:s31+s11] =	stream.strided.scatter [tilespmem:s23], [sflag:$0x2], $0x1000, s12, s11, $0x38;
	[tilespmem:$0xC600] =	vst v63  }
.Ltmp1:
0x3b: {  	s0 =	sadd.s32 $0x2C, s0;
	(pc) =	sbr.rel @p0 .LBB2_2-.Ltmp1, $4  }
0x3c: {  	[hbm4b:s0+s11] =	stream.strided.scatter [tilespmem:s24], [sflag:$0x2], $0x1000, s12, s11, $0x38;
	[tilespmem:$0xC600] =	vst v63  }
0x3d: {  	_ =	swait.ge [sflag:s25], $0xC000  }
0x3e: {  	[sflag:s25] =	ssyncset.done $0x0  }
0x3f: {  	[sflag:s25] =	ssyncadd.s32 $0xFFFF4000  }
0x40: {  	s1 =	sadd.s32 $0x1, s1  }
0x41: {  	p0 =	sne.s32 s1, s7  }
.Ltmp2:
0x42: {  	_ = 	snop;
	(pc) =	sbr.rel @p0 .LBB2_1-.Ltmp2, $1  }
0x43: {  	_ =	sdelay $0x3  }
0x44: {  	_ =	sfence.sel $0x180000  }
0x45: {  	[bflag:$0x0] =	sbarrier.arrive $0xFFFF  }
0x46: {  	_ =	strace $0x9000004D  }
0x47: {  	s0 =	stileid.u32;
	[bflag:$0x2] =	sbarrier.arrive $0xFFFF  }
0x48: {  	p0 =	sne.s32 s0, $0x0;
	s0 =	rddreg [dreg:$0x1]  }
0x49: {  	s0 =	sadd.s32 @!p0 $0x100000, s0  }
0x4a: {  	[sflag:s0] =	ssyncadd.tile.s32 @!p0 $0x1;
	_ =	shalt  }
.Lfunc_end2:
_tile_overlayer_lowered:
.L_overlay_start_2:
0x4b: {  	(tag) =	ssettag $0x2  }
0x4c: {  	s0 =	rddreg [dreg:$0x0];
	s2 =	stileid.u32  }
0x4d: {  	s1 =	rddreg [dreg:$0x1];
	p0 =	sne.s32 s2, $0x0  }
0x4e: {  	s3 =	rddreg [dreg:$0x2];
	[bflag:$0x3] =	sbarrier.arrive $0xFFFF;
	s2 =	simm.s32 @!p0 $0x1C03  }
0x4f: {  	[timem:s3], [sflag:s2] =	dma.local @!p0 [hbm:s0], s1  }
0x50: {  	s0 =	simm.s32 @!p0 $0x3  }
0x51: {  	_ =	swait.ge @!p0 [sflag:s0], s1  }
0x52: {  	s1 =	ssub.s32 @!p0 $0x0, s1;
	[sflag:s0] =	ssyncset.done @!p0 $0x0  }
0x53: {  	[sflag:s0] =	ssyncadd.s32 @!p0 s1  }
0x54: {  	[bflag:$0x3] =	sbarrier.arrive $0xFFFF  }
0x55: {  	_ =	shalt  }

// kernel: sparse-core-data-format-call.1.cloned.1.call-start
scs
called_computation.1_lowered:
.L_overlay_start_0:
0x0: {  	s1 =	sld [smem:$0x3FD9]  }
0x1: {  	s2 =	sld [smem:$0x3FFE];
	_ =	sdelay $0x1  }
0x2: {  	s3 =	srdreg.scid  }
0x3: {  	s0 =	sand.u32 $0x1, s3  }
0x4: {  	s17 =	sshll.u32 s0, $0xA;
	s1 =	sadd.s32 s2, s1  }
0x5: {  	s1 =	sadd.s32 s1, s17  }
0x6: {  	[smem:$0x3FC1] =	sst s1  }
0x7: {  	_ = 	snop  }
0x8: {  	(tm) =	ssettm $0x1  }
0x9: {  	s18 =	sld [smem:$0x3FFB];
	_ =	sdelay $0x3  }
0xa: {  	_ =	strace s18  }
0xb: {  	s1 =	sld [smem:$0x3FFC];
	_ =	sdelay $0x3  }
0xc: {  	_ =	strace s1  }
0xd: {  	s1 =	sld [smem:$0x3FFD];
	_ =	sdelay $0x3  }
0xe: {  	_ =	strace s1  }
0xf: {  	_ =	strace $0x8FFFFFFF  }
0x10: {  	s19 =	sld [smem:$0x3FDB];
	_ =	sdelay $0x1  }
0x11: {  	s20 =	simm.s32 $_scs_section_size  }
0x12: {  	s4 =	simm.s32 $_size__tile_overlayer_lowered;
	s5 =	simm.s32 $_tile_overlayer_lowered  }
0x13: {  	s23 =	simm.s32 $0x1BFF;
	s22 =	sshll.u32 s5, $0x1;
	s1 =	sadd.s32 s20, s19  }
0x14: {  	s6 =	simm.s32 $0x0;
	s21 =	sshll.u32 s4, $0x1;
	s4 =	sadd.s32 s22, s1  }
0x15: {  	[timem:s6], [sflag:s23] =	dma.local [hbm:s4], s21  }
0x16: {  	_ =	swait.ge [sflag:s23], s21  }
0x17: {  	s2 =	ssub.s32 $0x0, s21;
	[sflag:s23] =	ssyncset.done $0x0  }
0x18: {  	[sflag:s23] =	ssyncadd.s32 s2;
	_ =	sdelay $0x1  }
0x19: {  	s24 =	simm.s32 $0x1B8B  }
0x1a: {  	_ =	swait.ge [sflag:s24], $0x1  }
0x1b: {  	[sflag:s24] =	ssyncset.done $0x0  }
0x1c: {  	s26 =	simm.s32 $0x1B8E;
	s25 =	sld [smem:$0x3FFE];
	[sflag:s24] =	ssyncadd.s32 $0xFFFFFFFF  }
0x1d: {  	s27 =	simm.s32 $execute0_lowered;
	[smem:$0x3FD2] =	sst s26  }
0x1e: {  	s4 =	sshll.u32 s27, $0x1;
	_ =	strace $0x80000046;
	[dreg:$0x1] =	wrdreg $0xFFFFFFFF  }
0x1f: {  	s28 =	simm.s32 $_size_execute0_lowered;
	s1 =	sadd.s32 s1, s4;
	[dreg:$0x0] =	wrdreg $0x0  }
0x20: {  	s4 =	sshll.u32 s28, $0x1;
	[dreg:$0x2] =	wrdreg s1  }
0x21: {  	[dreg:$0x3] =	wrdreg s4  }
0x22: {  	[dreg:$0x4] =	wrdreg $0xC0  }
0x23: {  	_ =	task [dreg:s6], $0x5FFFF  }
0x24: {  	[dreg:$0x1] =	wrdreg $0xFFFFFFFF  }
0x25: {  	[dreg:$0x0] =	wrdreg $0x60  }
0x26: {  	[dreg:$0x2] =	wrdreg s25  }
0x27: {  	[dreg:$0x3] =	wrdreg $0xA  }
0x28: {  	_ =	task.clear_ibuf [dreg:s6], $0x4FFFF;
	_ =	strace $0x90000046  }
0x29: {  	s29 =	simm.s32 $0xA;
	_ =	strace $0x80000048  }
0x2a: {  	_ =	swait.ge [sflag:s29], $0x1  }
0x2b: {  	[sflag:s29] =	ssyncadd.s32 $0xFFFFFFFF  }
0x2c: {  	_ =	strace $0x90000048  }
0x2d: {  	_ =	sfence  }
0x2e: {  	s30 =	sld [smem:$0x0];
	_ =	sdelay $0x2  }
0x2f: {  	s31 =	sshll.u32 s3, $0xD;
	s3 =	sshrl.u32 s3, $0x2  }
0x30: {  	s2 =	sand.u32 $0x4000, s31;
	s1 =	sadd.s32 s3, s30  }
0x31: {  	s0 =	sor.u32 s2, s0;
	s1 =	sshll.u32 s1, $0x11  }
0x32: {  	s0 =	sor.u32 s1, s0  }
0x33: {  	s0 =	sadd.s32 $0x8F2B, s0  }
0x34: {  	[sflag:s0] =	ssyncadd.remote.s32 $0x1  }
0x35: {  	_ =	sfence.sel $0xFFFF  }
0x36: {  	[dreg:$0x0] =	wrdreg $0xFFFFFFFF;
	(pc) =	sbr.abs _section_cstart, $3  }
0x37: {  	[dreg:$0x1] =	wrdreg $0xFFFFFFFF  }
0x38: {  	_ =	task.clear_ibuf [dreg:s6], $0x2FFFF;
	_ =	strace $0x9FFFFFFF  }
0x39: {  	(tm) =	ssettm $0x7FFFFFFF  }
tec
execute0_lowered:
.L_overlay_start_1:
0x0: {  	(tag) =	ssettag $0x1  }
0x1: {  	s0 =	srdreg.scid;
	s5 =	rddreg [dreg:$0x0];
	s6 =	simm.s32 $0x2  }
0x2: {  	s16 =	simm.s32 $0x0;
	p0 =	por $0x0, $0x0;
	s8 =	simm.s32 $0x80  }
0x3: {  	s17 =	simm.s32 $0x0;
	s18 =	simm.s32 $0x0;
	s1 =	sshll.u32 s0, $0x4  }
0x4: {  	s9 =	simm.s32 $0x0;
	s0 =	stileid.u32;
	s1 =	sand.u32 $0x10, s1  }
0x5: {  	s10 =	simm.s32 $0x0;
	s11 =	simm.s32 $0x0;
	s1 =	sor.u32 s0, s1  }
0x6: {  	s13 =	simm.s32 $0x0;
	s14 =	simm.s32 $0x0;
	s2 =	sshll.u32 s1, $0x8  }
.Ltmp0:
0x7: {  	s15 =	simm.s32 $0x0;
	s3 =	ssub.s32 $0x18600, s2;
	(pc) =	sbr.rel .LBB1_1-.Ltmp0, $4  }
0x8: {  	s1 =	rddreg [dreg:$0x1];
	_ =	strace $0x80000047;
	s4 =	sshrl.u32 s3, $0xD  }
0x9: {  	s12 =	smov.u32 s2;
	s3 =	simm.s32 $0x1;
	s7 =	smul.u32 $0xA, s4  }
0xa: {  	s4 =	sadd.s32 $0x2E00, s5;
	[sflag:s3] =	ssyncpa.u1 $0x0;
	s5 =	sadd.s32 $0x3D4600, s5  }
0xb: {  	[sflag:s6] =	ssyncpa.u1 $0x0;
	s6 =	sadd.s32 $0xA, s7;
	s7 =	sadd.s32 $0xB, s7  }
.LBB1_5:
0xc: {  	p1 =	slt.u32 s15, $0x2  }
0xd: {  	s19 =	smov.u32 s18;
	p2 =	sgt.s32 @!p1 s18, $0x9  }
0xe: {  	s20 =	sshra.s32 @!p1 s18, $0x1F;
	p3 =	sgt.s32 @!p1 s16, $0x185A0;
	p4 =	sgt.s32 @!p1 s17, $0x60  }
0xf: {  	s21 =	sshra.s32 @!p1 s17, $0x1F;
	p2 =	por !p2, p1;
	s18 =	sand.u32 @!p1 s20, s18  }
0x10: {  	p4 =	por !p4, p1;
	s20 =	smov.u32 s17;
	s19 =	simm.s32 @p2 $0x9  }
0x11: {  	s17 =	sand.u32 @!p1 s21, s17;
	s20 =	simm.s32 @p4 $0x60;
	s18 =	ssub.s32 @!p1 s19, s18  }
0x12: {  	p3 =	por !p3, p1;
	s17 =	ssub.s32 @!p1 s20, s17;
	s19 =	sadd.s32 @!p1 $0xFFFFFFF7, s18  }
0x13: {  	s20 =	sshra.s32 @!p1 s16, $0x1F;
	s18 =	ssub.s32 @!p1 $0xA, s18;
	p2 =	sgt.s32 @!p1 s19, $0x0  }
0x14: {  	s19 =	smov.u32 s16;
	s16 =	sand.u32 @!p1 s20, s16;
	s20 =	sadd.s32 @!p1 $0xFFFFFFA0, s17  }
0x15: {  	s17 =	ssub.s32 @!p1 $0x80, s17;
	s19 =	simm.s32 @p3 $0x185A0;
	p2 =	por !p2, p1  }
0x16: {  	s18 =	simm.s32 @!p2 $0x0;
	s16 =	ssub.s32 @!p1 s19, s16;
	p2 =	sgt.s32 @!p1 s20, $0x1F  }
0x17: {  	s20 =	smov.u32 s13;
	s19 =	sadd.s32 @!p1 $0xFFFE7A60, s16;
	p2 =	por !p2, p1  }
0x18: {  	s16 =	ssub.s32 @!p1 $0x186A0, s16;
	s17 =	simm.s32 @!p2 $0x0;
	p2 =	sgt.s32 @!p1 s19, $0xFF  }
0x19: {  	s19 =	sadd.s32 $0x2000, s12;
	p2 =	por !p2, p1;
	s17 =	smul.u32 @!p1 s18, s17  }
0x1a: {  	s18 =	sadd.s32 $0x20, s13;
	s16 =	simm.s32 @!p2 $0x0;
	p2 =	sgt.s32 s19, $0x1869F  }
0x1b: {  	s16 =	smul.u32 @!p1 s16, s17;
	s20 =	smov.u32 @p2 s18  }
0x1c: {  	s19 =	smov.u32 @p2 s2;
	s17 =	simm.s32 $0x1;
	p2 =	sgt.s32 s20, $0x1F  }
0x1d: {  	s17 =	simm.s32 @!p2 $0x0  }
0x1e: {  	p0 =	por !p0, !p0;
	s23 =	sadd.s32 s17, s14  }
0x1f: {  	s21 =	simm.s32 @!p1 $0x2;
	s20 =	simm.s32 @p2 $0x0;
	p2 =	sgt.s32 s23, $0x9  }
0x20: {  	s18 =	smov.u32 s11;
	s23 =	simm.s32 @p2 $0x0;
	p2 =	sne.s32 s15, s7  }
.Ltmp1:
0x21: {  	s11 =	smov.u32 s14;
	s16 =	sand.u32 @!p1 $0x3FFFFFFF, s16;
	(pc) =	sbr.rel @!p2 .LBB1_6-.Ltmp1, $4  }
0x22: {  	_ =	swait.ge @!p1 [sflag:s21], s16;
	s22 =	ssub.s32 @!p1 $0x0, s16;
	s16 =	smov.u32 s9  }
0x23: {  	s17 =	smov.u32 s10;
	s9 =	smov.u32 s12;
	s10 =	smov.u32 s13  }
0x24: {  	s12 =	smov.u32 s19;
	s13 =	smov.u32 s20;
	[sflag:s21] =	ssyncset.done @!p1 $0x0  }
0x25: {  	s15 =	sadd.s32 $0x1, s15;
	[sflag:s21] =	ssyncadd.s32 @!p1 s22;
	s14 =	smov.u32 s23  }
.LBB1_1:
0x26: {  	p1 =	sge.u32 s15, s6  }
0x27: {  	s19 =	sshrl.u32 @!p1 s13, $0x3  }
0x28: {  	s20 =	sshll.u32 @!p1 s12, $0x3;
	s19 =	smul.u32 @!p1 $0xC3800, s19  }
0x29: {  	s21 =	sshll.u32 @!p1 s13, $0x7;
	s20 =	sand.u32 @!p1 $0xFFFFFC00, s20  }
0x2a: {  	s19 =	sadd.s32 @!p1 s19, s20;
	s20 =	sand.u32 @!p1 $0x380, s21  }
0x2b: {  	s21 =	sand.u32 @!p1 $0x7F, s12;
	s19 =	sor.u32 @!p1 s20, s19  }
0x2c: {  	s20 =	sor.u32 @!p1 s21, s19  }
0x2d: {  	s21 =	smulhi.u32 @!p1 $0xA79C7B17, s20  }
0x2e: {  	s19 =	smulhi.u32 @!p1 $0xA79C7B17, s19  }
0x2f: {  	s21 =	sshrl.u32 @!p1 s21, $0x10  }
0x30: {  	s19 =	sshrl.u32 @!p1 s19, $0x10;
	s21 =	smul.u32 @!p1 $0x18700, s21  }
0x31: {  	s22 =	sxor.u32 @!p1 $0xFFFFFFFF, s15;
	s23 =	smul.u32 @!p1 $0x61C00, s14;
	s19 =	sand.u32 @!p1 $0x1F, s19  }
0x32: {  	s22 =	sshll.u32 @!p1 s22, $0xD;
	s19 =	smul.u32 @!p1 $0x30E0, s19;
	s20 =	ssub.s32 @!p1 s20, s21  }
0x33: {  	s21 =	sand.u32 @!p1 $0x2000, s22;
	s22 =	sadd.s32 @!p1 s4, s23;
	s23 =	sand.u32 @!p1 $0x7, s20  }
0x34: {  	s20 =	sshrl.u32 @!p1 s20, $0x3;
	s19 =	sadd.s32 @!p1 s19, s22;
	s22 =	sshll.u32 @!p1 s23, $0x12  }
0x35: {  	s19 =	sadd.s32 @!p1 s20, s19;
	s20 =	sor.u32 @!p1 $0x800, s22;
	s22 =	simm.s32 @!p1 $0xC3800  }
0x36: {  	[tilespmem:s21], [sflag:$0x1] =	stream.strided.gather @!p1 [hbm4b:s19+s20], $0x2000, s22, s20, $0x38;
	[tilespmem:$0x8200] =	vst v63  }
0x37: {  	p1 =	seq.s32 s15, $0x0  }
0x38: {  	p2 =	sge.u32 @!p1 s15, s7  }
0x39: {  	p1 =	por p1, p2  }
.Ltmp2:
0x3a: {  	_ = 	snop;
	(pc) =	sbr.rel @p1 .LBB1_5-.Ltmp2, $1  }
0x3b: {  	_ =	sdelay $0x3  }
0x3c: {  	s21 =	simm.s32 $0x0  }
0x3d: {  	s22 =	sand.u32 $0x1800, s21;
	s23 =	sand.u32 $0x380, s21  }
0x3e: {  	s19 =	sand.u32 $0x1, s15;
	s23 =	sor.u32 s23, s22  }
0x3f: {  	_ =	swait.ge [sflag:s3], $0x2000;
	s20 =	sshll.u32 s19, $0xD;
	s22 =	sand.u32 $0x1B00, s23  }
0x40: {  	[sflag:s3] =	ssyncset.done $0x0;
	s21 =	sand.u32 $0x80, s21;
	s22 =	sadd.s32 s22, s20  }
0x41: {  	[sflag:s3] =	ssyncadd.s32 $0xFFFFE000;
	s25 =	sadd.s32 s21, s22  }
0x42: {  	v4 =	vld [tilespmem:s25+$0x400]  }
0x43: {  	s24 =	simm.s32 $0x1;
	v5 =	vld [tilespmem:s25+$0x0]  }
0x44: {  	s24 =	simm.s32 @!p0 $0x0;
	v6 =	vld [tilespmem:s25+$0x10]  }
0x45: {  	v0 =	vmov s20;
	s31 =	smul.u32 $0x8400, s24;
	v7 =	vld [tilespmem:s25+$0x20]  }
0x46: {  	v9 =	vld [tilespmem:s25+$0x30]  }
0x47: {  	s21 =	sshrl.u32 s31, $0x2;
	v10 =	vld [tilespmem:s25+$0x40]  }
0x48: {  	s21 =	sor.u32 $0x4000, s21;
	v11 =	vld [tilespmem:s25+$0x50]  }
0x49: {  	v8 =	vld [tilespmem:s25+$0x60];
	s22 =	sadd.s32 $0x0, s21  }
0x4a: {  	v1 =	vld.idx.msk [tilespmem:v0+s23+$0x410 ss:$0x1], $0xffff;
	[tilespmem:s22+$0x1080 ss:$0x21] =	vst.msk $0xffff, v4  }
0x4b: {  	v2 =	vld.idx.msk [tilespmem:v0+s23+$0x420 ss:$0x1], $0xffff;
	[tilespmem:s22+$0x0 ss:$0x21] =	vst.msk $0xffff, v5  }
0x4c: {  	v3 =	vld.idx.msk [tilespmem:v0+s23+$0x430 ss:$0x1], $0xffff;
	[tilespmem:s22+$0x210 ss:$0x21] =	vst.msk $0xffff, v6  }
0x4d: {  	s19 =	smul.u32 $0x8400, s19;
	[tilespmem:s22+$0x420 ss:$0x21] =	vst.msk $0xffff, v7;
	v7 =	vld [tilespmem:s25+$0x70]  }
0x4e: {  	s26 =	simm.s32 $0x80;
	s27 =	simm.s32 $0x8;
	[tilespmem:s22+$0x630 ss:$0x21] =	vst.msk $0xffff, v9;
	v4 =	vld.idx.msk [tilespmem:v0+s23+$0x440 ss:$0x1], $0xffff  }
0x4f: {  	s29 =	sand.u32 $0x380, s26;
	s19 =	sshrl.u32 s19, $0x2;
	[tilespmem:s22+$0x840 ss:$0x21] =	vst.msk $0xffff, v10;
	v5 =	vld.idx.msk [tilespmem:v0+s23+$0x450 ss:$0x1], $0xffff;
	s25 =	simm.s32 $0x100  }
0x50: {  	s24 =	simm.s32 $0x4;
	s19 =	sor.u32 $0x4000, s19;
	[tilespmem:s22+$0xA50 ss:$0x21] =	vst.msk $0xffff, v11;
	v6 =	vld.idx.msk [tilespmem:v0+s23+$0x460 ss:$0x1], $0xffff;
	s28 =	sand.u32 $0x1800, s25  }
.LBB1_3:
0x51: {  	p1 =	sne.s32 s27, $0x7C;
	[tilespmem:s22+$0xC60 ss:$0x21] =	vst.msk $0xffff, v8;
	v8 =	vld.idx.msk [tilespmem:v0+s23+$0x470 ss:$0x1], $0xffff;
	s23 =	sor.u32 s29, s28  }
0x52: {  	s28 =	sand.u32 $0x1B00, s23;
	v9 =	vld.idx.msk [tilespmem:v0+s23+$0x410 ss:$0x1], $0xffff;
	[tilespmem:s22+$0xE70 ss:$0x21] =	vst.msk $0xffff, v7  }
0x53: {  	s29 =	sand.u32 $0x80, s26;
	s28 =	sadd.s32 s28, s20;
	v7 =	vld.idx.msk [tilespmem:v0+s23+$0x420 ss:$0x1], $0xffff;
	[tilespmem:s22+$0x1290 ss:$0x21] =	vst.msk $0xffff, v1  }
0x54: {  	s28 =	sadd.s32 s29, s28;
	v10 =	vld.idx.msk [tilespmem:v0+s23+$0x430 ss:$0x1], $0xffff;
	[tilespmem:s22+$0x14A0 ss:$0x21] =	vst.msk $0xffff, v2  }
0x55: {  	v11 =	vld [tilespmem:s28+$0x400];
	[tilespmem:s22+$0x16B0 ss:$0x21] =	vst.msk $0xffff, v3  }
0x56: {  	v12 =	vld [tilespmem:s28+$0x0];
	[tilespmem:s22+$0x18C0 ss:$0x21] =	vst.msk $0xffff, v4  }
0x57: {  	v4 =	vld [tilespmem:s28+$0x10];
	[tilespmem:s22+$0x1AD0 ss:$0x21] =	vst.msk $0xffff, v5  }
0x58: {  	s29 =	sshra.s32 s24, $0x2;
	s24 =	smov.u32 s27;
	v1 =	vmov v9;
	v5 =	vld [tilespmem:s28+$0x20];
	[tilespmem:s22+$0x1CE0 ss:$0x21] =	vst.msk $0xffff, v6  }
0x59: {  	v2 =	vmov v7;
	v6 =	vld [tilespmem:s28+$0x30];
	[tilespmem:s22+$0x1EF0 ss:$0x21] =	vst.msk $0xffff, v8;
	s22 =	sadd.s32 s29, s21  }
0x5a: {  	v3 =	vmov v10;
	v9 =	vld [tilespmem:s28+$0x40];
	[tilespmem:s22+$0x1080 ss:$0x21] =	vst.msk $0xffff, v11  }
0x5b: {  	[tilespmem:s22+$0x0 ss:$0x21] =	vst.msk $0xffff, v12;
	v10 =	vld [tilespmem:s28+$0x50]  }
.Ltmp3:
0x5c: {  	[tilespmem:s22+$0x210 ss:$0x21] =	vst.msk $0xffff, v4;
	v8 =	vld [tilespmem:s28+$0x60];
	(pc) =	sbr.rel @p1 .LBB1_3-.Ltmp3, $4  }
0x5d: {  	[tilespmem:s22+$0x420 ss:$0x21] =	vst.msk $0xffff, v5;
	v7 =	vld [tilespmem:s28+$0x70]  }
0x5e: {  	[tilespmem:s22+$0x630 ss:$0x21] =	vst.msk $0xffff, v6;
	v4 =	vld.idx.msk [tilespmem:v0+s23+$0x440 ss:$0x1], $0xffff  }
0x5f: {  	s26 =	sadd.s32 $0x80, s26;
	s25 =	sadd.s32 $0x100, s25;
	[tilespmem:s22+$0x840 ss:$0x21] =	vst.msk $0xffff, v9;
	v5 =	vld.idx.msk [tilespmem:v0+s23+$0x450 ss:$0x1], $0xffff  }
0x60: {  	s27 =	sadd.s32 $0x4, s27;
	s29 =	sand.u32 $0x380, s26;
	s28 =	sand.u32 $0x1800, s25;
	[tilespmem:s22+$0xA50 ss:$0x21] =	vst.msk $0xffff, v10;
	v6 =	vld.idx.msk [tilespmem:v0+s23+$0x460 ss:$0x1], $0xffff  }
0x61: {  	_ =	sdelay $0x3  }
0x62: {  	s25 =	sor.u32 s29, s28;
	v47 =	vld.idx.msk [tilespmem:v0+s23+$0x470 ss:$0x1], $0xffff  }
0x63: {  	[tilespmem:s22+$0xC60 ss:$0x21] =	vst.msk $0xffff, v8;
	v57 =	vld.idx.msk [tilespmem:v0+s25+$0x410 ss:$0x1], $0xffff  }
0x64: {  	[tilespmem:s22+$0x1290 ss:$0x21] =	vst.msk $0xffff, v1;
	v58 =	vld.idx.msk [tilespmem:v0+s25+$0x420 ss:$0x1], $0xffff  }
0x65: {  	[tilespmem:s22+$0x14A0 ss:$0x21] =	vst.msk $0xffff, v2;
	v59 =	vld.idx.msk [tilespmem:v0+s25+$0x430 ss:$0x1], $0xffff  }
0x66: {  	[tilespmem:s22+$0x16B0 ss:$0x21] =	vst.msk $0xffff, v3;
	v60 =	vld.idx.msk [tilespmem:v0+s25+$0x440 ss:$0x1], $0xffff  }
0x67: {  	s26 =	sand.u32 $0x80, s26;
	s27 =	sand.u32 $0x1B00, s25;
	[tilespmem:s22+$0xE70 ss:$0x21] =	vst.msk $0xffff, v7;
	v61 =	vld.idx.msk [tilespmem:v0+s25+$0x450 ss:$0x1], $0xffff  }
0x68: {  	s29 =	sshll.u32 s10, $0x3;
	s24 =	sshra.s32 s24, $0x2;
	v62 =	vld.idx.msk [tilespmem:v0+s25+$0x460 ss:$0x1], $0xffff;
	s20 =	sadd.s32 s27, s20;
	[tilespmem:s22+$0x18C0 ss:$0x21] =	vst.msk $0xffff, v4  }
0x69: {  	p1 =	sgt.s32 s11, $0x9;
	s31 =	sand.u32 $0xFFFFFC00, s29;
	v63 =	vld.idx.msk [tilespmem:v0+s25+$0x470 ss:$0x1], $0xffff;
	s23 =	sadd.s32 s26, s20;
	[tilespmem:s22+$0x1AD0 ss:$0x21] =	vst.msk $0xffff, v5  }
0x6a: {  	p2 =	sgt.s32 s10, $0x60;
	s29 =	sshra.s32 s11, $0x1F;
	s25 =	smul.u32 $0x186A00, s11;
	v48 =	vld [tilespmem:s23+$0x400];
	[tilespmem:s22+$0x1CE0 ss:$0x21] =	vst.msk $0xffff, v6  }
0x6b: {  	s26 =	sshll.u32 s9, $0x7;
	s20 =	sadd.s32 s24, s21;
	s24 =	sand.u32 s29, s11;
	v49 =	vld [tilespmem:s23+$0x0];
	[tilespmem:s22+$0x1EF0 ss:$0x21] =	vst.msk $0xffff, v47  }
0x6c: {  	s29 =	sshra.s32 s9, $0x1F;
	v50 =	vld [tilespmem:s23+$0x10];
	s30 =	sand.u32 $0xFFFFFC00, s26;
	s28 =	sand.u32 $0x380, s26;
	[tilespmem:s20+$0x1290 ss:$0x21] =	vst.msk $0xffff, v57  }
0x6d: {  	v51 =	vld [tilespmem:s23+$0x20];
	s27 =	sadd.s32 s31, s30;
	s22 =	smov.u32 s11;
	s31 =	sshra.s32 s10, $0x1F;
	[tilespmem:s20+$0x14A0 ss:$0x21] =	vst.msk $0xffff, v58  }
0x6e: {  	v52 =	vld [tilespmem:s23+$0x30];
	s21 =	sor.u32 s28, s27;
	s22 =	simm.s32 @!p1 $0x9;
	s28 =	sand.u32 s31, s10;
	[tilespmem:s20+$0x16B0 ss:$0x21] =	vst.msk $0xffff, v59  }
0x6f: {  	v53 =	vld [tilespmem:s23+$0x40];
	s27 =	smov.u32 s9;
	[tilespmem:s20+$0x18C0 ss:$0x21] =	vst.msk $0xffff, v60;
	s21 =	sshrl.u32 s21, $0x7;
	s22 =	ssub.s32 s22, s24  }
0x70: {  	v54 =	vld [tilespmem:s23+$0x50];
	[tilespmem:s20+$0x1AD0 ss:$0x21] =	vst.msk $0xffff, v61;
	s24 =	smov.u32 s10;
	s26 =	smulhi.u32 $0x14F8B59, s21;
	s30 =	sadd.s32 $0xFFFFFFF7, s22  }
0x71: {  	v55 =	vld [tilespmem:s23+$0x60];
	[tilespmem:s20+$0x1CE0 ss:$0x21] =	vst.msk $0xffff, v62;
	s24 =	simm.s32 @!p2 $0x60;
	p2 =	sgt.s32 s9, $0x185A0;
	s22 =	ssub.s32 $0xA, s22  }
0x72: {  	v56 =	vld [tilespmem:s23+$0x70];
	[tilespmem:s20+$0x1EF0 ss:$0x21] =	vst.msk $0xffff, v63;
	p1 =	sgt.s32 s30, $0x0;
	s23 =	ssub.s32 s24, s28;
	s27 =	simm.s32 @!p2 $0x185A0  }
0x73: {  	[tilespmem:s20+$0x1080 ss:$0x21] =	vst.msk $0xffff, v48;
	s24 =	sand.u32 s29, s9;
	s28 =	sand.u32 $0x7, s10;
	s26 =	sshrl.u32 s26, $0x9  }
0x74: {  	[tilespmem:s20+$0x0 ss:$0x21] =	vst.msk $0xffff, v49;
	s24 =	ssub.s32 s27, s24;
	s30 =	sadd.s32 $0xFFFFFFA0, s23;
	s22 =	simm.s32 @p1 $0x0  }
0x75: {  	[tilespmem:s20+$0x210 ss:$0x21] =	vst.msk $0xffff, v50;
	s23 =	ssub.s32 $0x80, s23;
	s27 =	sshrl.u32 s10, $0x3;
	p1 =	sgt.s32 s30, $0x1F  }
0x76: {  	[tilespmem:s20+$0x420 ss:$0x21] =	vst.msk $0xffff, v51;
	s26 =	smul.u32 $0x186A0, s26;
	s31 =	sadd.s32 $0xFFFE7A60, s24;
	s23 =	simm.s32 @p1 $0x0  }
0x77: {  	[tilespmem:s20+$0x630 ss:$0x21] =	vst.msk $0xffff, v52;
	s24 =	ssub.s32 $0x186A0, s24;
	p1 =	sgt.s32 s31, $0xFF;
	s22 =	smul.u32 s22, s23  }
.Ltmp4:
0x78: {  	[tilespmem:s20+$0x840 ss:$0x21] =	vst.msk $0xffff, v53;
	s24 =	simm.s32 @p1 $0x0;
	s21 =	ssub.s32 s21, s26;
	(pc) =	sbr.rel .LBB1_5-.Ltmp4, $4  }
0x79: {  	[tilespmem:s20+$0xA50 ss:$0x21] =	vst.msk $0xffff, v54;
	s23 =	sadd.s32 s5, s25;
	s22 =	smul.u32 s24, s22;
	s24 =	sand.u32 $0xF, s27  }
0x7a: {  	[tilespmem:s20+$0xC60 ss:$0x21] =	vst.msk $0xffff, v55;
	s29 =	sshll.u32 s28, $0x12;
	s21 =	sshll.u32 s21, $0x4;
	s23 =	sadd.s32 s24, s23  }
0x7b: {  	[tilespmem:s20+$0xE70 ss:$0x21] =	vst.msk $0xffff, v56;
	s31 =	sor.u32 $0x20, s29;
	s30 =	sand.u32 $0x3FFFFFFF, s22;
	s21 =	sadd.s32 s21, s23  }
0x7c: {  	[hbm4b:s21+s31] =	stream.strided.scatter [tilespmem:s19], [sflag:$0x2], s30, s8, s31, $0x10;
	[tilespmem:$0x8200] =	vst v63  }
.LBB1_6:
0x7d: {  	_ =	sfence.sel $0x180000  }
0x7e: {  	s2 =	simm.s32 $0x1;
	[bflag:$0x0] =	sbarrier.arrive $0xFFFF  }
0x7f: {  	s31 =	simm.s32 $0x2;
	[sflag:s2] =	ssyncpa.u1 $0x1  }
0x80: {  	[sflag:s31] =	ssyncpa.u1 $0x1  }
0x81: {  	p0 =	sne.s32 s0, $0x0;
	_ =	strace $0x90000047  }
0x82: {  	s0 =	sadd.s32 @!p0 $0x100000, s1;
	[bflag:$0x2] =	sbarrier.arrive $0xFFFF  }
0x83: {  	[sflag:s0] =	ssyncadd.tile.s32 @!p0 $0x1;
	_ =	shalt  }
.Lfunc_end1:
_tile_overlayer_lowered:
.L_overlay_start_2:
0x84: {  	(tag) =	ssettag $0x2  }
0x85: {  	s0 =	rddreg [dreg:$0x0];
	s2 =	stileid.u32  }
0x86: {  	s1 =	rddreg [dreg:$0x1];
	p0 =	sne.s32 s2, $0x0  }
0x87: {  	s3 =	rddreg [dreg:$0x2];
	[bflag:$0x3] =	sbarrier.arrive $0xFFFF;
	s2 =	simm.s32 @!p0 $0x1C01  }
0x88: {  	[timem:s3], [sflag:s2] =	dma.local @!p0 [hbm:s0], s1  }
0x89: {  	s0 =	simm.s32 @!p0 $0x1  }
0x8a: {  	_ =	swait.ge @!p0 [sflag:s0], s1  }
0x8b: {  	s1 =	ssub.s32 @!p0 $0x0, s1;
	[sflag:s0] =	ssyncset.done @!p0 $0x0  }
0x8c: {  	[sflag:s0] =	ssyncadd.s32 @!p0 s1  }
0x8d: {  	[bflag:$0x3] =	sbarrier.arrive $0xFFFF  }
0x8e: {  	_ =	shalt  }

// kernel: sparse-core-data-format-call.2.cloned.1.call-start
scs
called_computation.2_lowered:
.L_overlay_start_0:
0x0: {  	s2 =	sld [smem:$0x3FD9]  }
0x1: {  	s3 =	sld [smem:$0x3FFE];
	_ =	sdelay $0x1  }
0x2: {  	s1 =	srdreg.scid  }
0x3: {  	s0 =	sand.u32 $0x1, s1  }
0x4: {  	s18 =	sshll.u32 s0, $0xA;
	s2 =	sadd.s32 s3, s2  }
0x5: {  	s2 =	sadd.s32 s2, s18  }
0x6: {  	[smem:$0x3FC1] =	sst s2  }
0x7: {  	_ = 	snop  }
0x8: {  	(tm) =	ssettm $0x1  }
0x9: {  	s19 =	sld [smem:$0x3FFB];
	_ =	sdelay $0x3  }
0xa: {  	_ =	strace s19  }
0xb: {  	s2 =	sld [smem:$0x3FFC];
	_ =	sdelay $0x3  }
0xc: {  	_ =	strace s2  }
0xd: {  	s2 =	sld [smem:$0x3FFD];
	_ =	sdelay $0x3  }
0xe: {  	_ =	strace s2  }
0xf: {  	_ =	strace $0x8FFFFFFF  }
0x10: {  	s20 =	sld [smem:$0x3FDB];
	_ =	sdelay $0x1  }
0x11: {  	s21 =	simm.s32 $_scs_section_size  }
0x12: {  	s4 =	simm.s32 $_size__tile_overlayer_lowered;
	s5 =	simm.s32 $_tile_overlayer_lowered  }
0x13: {  	s6 =	simm.s32 $0x1BFF;
	s22 =	sshll.u32 s5, $0x1;
	s3 =	sadd.s32 s21, s20  }
0x14: {  	s23 =	simm.s32 $0x0;
	s4 =	sshll.u32 s4, $0x1;
	s5 =	sadd.s32 s22, s3  }
0x15: {  	[timem:s23], [sflag:s6] =	dma.local [hbm:s5], s4  }
0x16: {  	_ =	swait.ge [sflag:s6], s4  }
0x17: {  	s4 =	ssub.s32 $0x0, s4;
	[sflag:s6] =	ssyncset.done $0x0  }
0x18: {  	[sflag:s6] =	ssyncadd.s32 s4;
	_ =	sdelay $0x1  }
0x19: {  	s24 =	simm.s32 $0x1B8B  }
0x1a: {  	_ =	swait.ge [sflag:s24], $0x1  }
0x1b: {  	[sflag:s24] =	ssyncset.done $0x0  }
0x1c: {  	[sflag:s24] =	ssyncadd.s32 $0xFFFFFFFF  }
0x1d: {  	s4 =	sld [smem:$0x0]  }
0x1e: {  	s5 =	sand.u32 $0xFFFFFFFE, s1  }
0x1f: {  	p0 =	sne.s32 s1, s5  }
0x20: {  	s5 =	sshll.u32 @p0 s5, $0xE  }
0x21: {  	s5 =	sadd.s32 @p0 $0x11B8D, s5;
	s6 =	sshll.u32 @p0 s4, $0x11  }
0x22: {  	s5 =	sor.u32 @p0 s6, s5  }
0x23: {  	[sflag:s5] =	ssyncadd.remote.s32 @p0 $0x1;
	_ =	sdelay $0x1  }
0x24: {  	s5 =	simm.s32 @p0 $0x1B8D  }
0x25: {  	_ =	swait.eq @p0 [sflag:s5], $0x1  }
0x26: {  	[sflag:s5] =	ssyncadd.s32 @p0 $0xFFFFFFFF  }
0x27: {  	s6 =	sshll.u32 @!p0 s1, $0xE  }
0x28: {  	s6 =	sor.u32 @!p0 $0x4000, s6;
	s5 =	simm.s32 @!p0 $0x1B8D  }
0x29: {  	s4 =	sshll.u32 @!p0 s4, $0x11;
	s6 =	sadd.s32 @!p0 $0x11B8D, s6;
	_ =	swait.eq @!p0 [sflag:s5], $0x1  }
0x2a: {  	s4 =	sor.u32 @!p0 s4, s6;
	[sflag:s5] =	ssyncadd.s32 @!p0 $0xFFFFFFFF  }
0x2b: {  	s26 =	simm.s32 $0x1B8E;
	s25 =	sld [smem:$0x3FFE];
	[sflag:s4] =	ssyncadd.remote.s32 @!p0 $0x1  }
0x2c: {  	s27 =	simm.s32 $execute0_lowered;
	[smem:$0x3FD2] =	sst s26  }
0x2d: {  	s5 =	sshll.u32 s27, $0x1;
	_ =	strace $0x80000049;
	[dreg:$0x1] =	wrdreg $0xFFFFFFFF  }
0x2e: {  	s28 =	simm.s32 $_size_execute0_lowered;
	s3 =	sadd.s32 s3, s5;
	[dreg:$0x0] =	wrdreg $0x0  }
0x2f: {  	s5 =	sshll.u32 s28, $0x1;
	[dreg:$0x2] =	wrdreg s3  }
0x30: {  	[dreg:$0x3] =	wrdreg s5  }
0x31: {  	[dreg:$0x4] =	wrdreg $0xC0  }
0x32: {  	_ =	task [dreg:s23], $0x5FFFF  }
0x33: {  	[dreg:$0x1] =	wrdreg $0xFFFFFFFF  }
0x34: {  	[dreg:$0x0] =	wrdreg $0x60  }
0x35: {  	[dreg:$0x2] =	wrdreg s25  }
0x36: {  	[dreg:$0x3] =	wrdreg $0x9  }
0x37: {  	_ =	task.clear_ibuf [dreg:s23], $0x4FFFF;
	_ =	strace $0x90000049  }
0x38: {  	s29 =	simm.s32 $0x9;
	_ =	strace $0x8000004B  }
0x39: {  	_ =	swait.ge [sflag:s29], $0x1  }
0x3a: {  	[sflag:s29] =	ssyncadd.s32 $0xFFFFFFFF  }
0x3b: {  	_ =	strace $0x9000004B  }
0x3c: {  	_ =	sfence  }
0x3d: {  	s30 =	sld [smem:$0x0];
	_ =	sdelay $0x2  }
0x3e: {  	s31 =	sshll.u32 s1, $0xD;
	s1 =	sshrl.u32 s1, $0x2  }
0x3f: {  	s4 =	sand.u32 $0x4000, s31;
	s1 =	sadd.s32 s1, s30  }
0x40: {  	s0 =	sor.u32 s4, s0;
	s1 =	sshll.u32 s1, $0x11  }
0x41: {  	s0 =	sor.u32 s1, s0  }
0x42: {  	s0 =	sadd.s32 $0x8F2B, s0  }
0x43: {  	[sflag:s0] =	ssyncadd.remote.s32 $0x1  }
0x44: {  	_ =	sfence.sel $0xFFFF  }
0x45: {  	[dreg:$0x0] =	wrdreg $0xFFFFFFFF;
	(pc) =	sbr.abs _section_cstart, $3  }
0x46: {  	[dreg:$0x1] =	wrdreg $0xFFFFFFFF  }
0x47: {  	_ =	task.clear_ibuf [dreg:s23], $0x2FFFF;
	_ =	strace $0x9FFFFFFF  }
0x48: {  	(tm) =	ssettm $0x7FFFFFFF  }
0x49: {  	_ =	shalt  }
tec
execute0_lowered:
.L_overlay_start_1:
0x0: {  	(tag) =	ssettag $0x1  }
0x1: {  	s1 =	rddreg [dreg:$0x0]  }
0x2: {  	s0 =	rddreg [dreg:$0x1]  }
0x3: {  	s3 =	srdreg.scid;
	_ =	strace $0x8000004A;
	s5 =	simm.s32 $0x1  }
0x4: {  	s6 =	simm.s32 $0x2;
	s16 =	simm.s32 $0x0;
	p0 =	por $0x0, $0x0  }
0x5: {  	s8 =	simm.s32 $0x80;
	s17 =	simm.s32 $0x0;
	s18 =	simm.s32 $0x0  }
0x6: {  	s9 =	simm.s32 $0x0;
	s10 =	simm.s32 $0x0;
	s11 =	simm.s32 $0x0  }
.Ltmp0:
0x7: {  	s13 =	simm.s32 $0x0;
	s4 =	sshll.u32 s3, $0x8;
	(pc) =	sbr.rel .LBB1_1-.Ltmp0, $4  }
0x8: {  	s14 =	stileid.u32;
	s15 =	simm.s32 $0x0;
	s4 =	sand.u32 $0x100, s4  }
0x9: {  	s2 =	sadd.s32 $0x1316A00, s1;
	[sflag:s5] =	ssyncpa.u1 $0x0;
	s7 =	ssub.s32 $0x18600, s4  }
0xa: {  	s3 =	sadd.s32 $0x1932A00, s1;
	[sflag:s6] =	ssyncpa.u1 $0x0;
	s6 =	sshrl.u32 s7, $0x9  }
0xb: {  	s1 =	stileid.u32;
	s12 =	smov.u32 s4;
	s7 =	sadd.s32 $0x2, s6  }
.LBB1_5:
0xc: {  	p1 =	slt.u32 s15, $0x2  }
0xd: {  	p2 =	sgt.s32 @!p1 s18, $0xF  }
0xe: {  	s19 =	smov.u32 s18;
	s20 =	sshra.s32 @!p1 s18, $0x1F;
	p2 =	por !p2, p1  }
0xf: {  	s18 =	sand.u32 @!p1 s20, s18;
	s19 =	simm.s32 @p2 $0xF  }
0x10: {  	p3 =	sgt.s32 @!p1 s17, $0x60;
	s18 =	ssub.s32 @!p1 s19, s18  }
0x11: {  	p3 =	por !p3, p1;
	s20 =	sshra.s32 @!p1 s17, $0x1F;
	s19 =	sadd.s32 @!p1 $0xFFFFFFF1, s18  }
0x12: {  	s18 =	ssub.s32 @!p1 $0x10, s18;
	p2 =	sgt.s32 @!p1 s19, $0x0;
	s19 =	smov.u32 s17  }
0x13: {  	s17 =	sand.u32 @!p1 s20, s17;
	s19 =	simm.s32 @p3 $0x60;
	p3 =	sgt.s32 @!p1 s16, $0x185A0  }
0x14: {  	s20 =	smov.u32 s16;
	p2 =	por !p2, p1;
	p3 =	por !p3, p1  }
0x15: {  	s17 =	ssub.s32 @!p1 s19, s17;
	s19 =	sshra.s32 @!p1 s16, $0x1F;
	s18 =	simm.s32 @!p2 $0x0  }
0x16: {  	s20 =	simm.s32 @p3 $0x185A0;
	s16 =	sand.u32 @!p1 s19, s16;
	s19 =	sadd.s32 @!p1 $0xFFFFFFA0, s17  }
0x17: {  	s17 =	ssub.s32 @!p1 $0x80, s17;
	s16 =	ssub.s32 @!p1 s20, s16;
	p2 =	sgt.s32 @!p1 s19, $0x1F  }
0x18: {  	s20 =	smov.u32 s13;
	s19 =	sadd.s32 @!p1 $0xFFFE7A60, s16;
	p2 =	por !p2, p1  }
0x19: {  	s16 =	ssub.s32 @!p1 $0x186A0, s16;
	p3 =	sgt.s32 @!p1 s19, $0xFF;
	s17 =	simm.s32 @!p2 $0x0  }
0x1a: {  	s19 =	sadd.s32 $0x200, s12;
	p2 =	por !p3, p1;
	s17 =	smul.u32 @!p1 s18, s17  }
0x1b: {  	s18 =	sadd.s32 $0x20, s13;
	s16 =	simm.s32 @!p2 $0x0;
	p2 =	sgt.s32 s19, $0x1869F  }
0x1c: {  	s21 =	smov.u32 s14;
	s20 =	smov.u32 @p2 s18  }
0x1d: {  	s16 =	smul.u32 @!p1 s16, s17;
	s17 =	sadd.s32 $0x10, s14;
	p3 =	sgt.s32 s20, $0x1F  }
0x1e: {  	p0 =	por !p0, !p0;
	s22 =	simm.s32 @!p1 $0x2;
	s21 =	smov.u32 @p3 s17  }
0x1f: {  	s19 =	smov.u32 @p2 s4;
	s18 =	smov.u32 s11;
	p2 =	sgt.s32 s21, $0xF  }
0x20: {  	s11 =	smov.u32 s14;
	s21 =	smov.u32 @p2 s1;
	p2 =	sne.s32 s15, s7  }
.Ltmp1:
0x21: {  	s16 =	sand.u32 @!p1 $0x3FFFFFFF, s16;
	s20 =	simm.s32 @p3 $0x0;
	(pc) =	sbr.rel @!p2 .LBB1_6-.Ltmp1, $4  }
0x22: {  	s17 =	smov.u32 s10;
	s10 =	smov.u32 s13;
	_ =	swait.ge @!p1 [sflag:s22], s16  }
0x23: {  	s23 =	ssub.s32 @!p1 $0x0, s16;
	s16 =	smov.u32 s9;
	s9 =	smov.u32 s12  }
0x24: {  	s12 =	smov.u32 s19;
	s13 =	smov.u32 s20;
	[sflag:s22] =	ssyncset.done @!p1 $0x0  }
0x25: {  	s15 =	sadd.s32 $0x1, s15;
	[sflag:s22] =	ssyncadd.s32 @!p1 s23;
	s14 =	smov.u32 s21  }
.LBB1_1:
0x26: {  	p1 =	sgt.u32 s15, s6  }
0x27: {  	s19 =	sshrl.u32 @!p1 s13, $0x3  }
0x28: {  	s20 =	sshll.u32 @!p1 s12, $0x3;
	s19 =	smul.u32 @!p1 $0xC3800, s19  }
0x29: {  	s21 =	sshll.u32 @!p1 s13, $0x7;
	s20 =	sand.u32 @!p1 $0xFFFFFC00, s20  }
0x2a: {  	s19 =	sadd.s32 @!p1 s19, s20;
	s20 =	sand.u32 @!p1 $0x380, s21  }
0x2b: {  	s21 =	sand.u32 @!p1 $0x7F, s12;
	s19 =	sor.u32 @!p1 s20, s19  }
0x2c: {  	s20 =	sor.u32 @!p1 s21, s19  }
0x2d: {  	s21 =	smulhi.u32 @!p1 $0xA79C7B17, s20  }
0x2e: {  	s19 =	smulhi.u32 @!p1 $0xA79C7B17, s19  }
0x2f: {  	s21 =	sshrl.u32 @!p1 s21, $0x10  }
0x30: {  	s19 =	sshrl.u32 @!p1 s19, $0x10;
	s21 =	smul.u32 @!p1 $0x18700, s21  }
0x31: {  	s22 =	sxor.u32 @!p1 $0xFFFFFFFF, s15;
	s23 =	smul.u32 @!p1 $0x61C00, s14;
	s19 =	sand.u32 @!p1 $0x1F, s19  }
0x32: {  	s22 =	sshll.u32 @!p1 s22, $0xD;
	s19 =	smul.u32 @!p1 $0x30E0, s19;
	s20 =	ssub.s32 @!p1 s20, s21  }
0x33: {  	s21 =	sand.u32 @!p1 $0x2000, s22;
	s22 =	sadd.s32 @!p1 s2, s23;
	s23 =	sand.u32 @!p1 $0x7, s20  }
0x34: {  	s20 =	sshrl.u32 @!p1 s20, $0x3;
	s19 =	sadd.s32 @!p1 s19, s22;
	s22 =	sshll.u32 @!p1 s23, $0x12  }
0x35: {  	s19 =	sadd.s32 @!p1 s20, s19;
	s20 =	sor.u32 @!p1 $0x800, s22;
	s22 =	simm.s32 @!p1 $0xC3800  }
0x36: {  	[tilespmem:s21], [sflag:$0x1] =	stream.strided.gather @!p1 [hbm4b:s19+s20], $0x2000, s22, s20, $0x38;
	[tilespmem:$0x8200] =	vst v63  }
0x37: {  	p1 =	seq.s32 s15, $0x0  }
0x38: {  	p2 =	sge.u32 @!p1 s15, s7  }
0x39: {  	p1 =	por p1, p2  }
.Ltmp2:
0x3a: {  	_ = 	snop;
	(pc) =	sbr.rel @p1 .LBB1_5-.Ltmp2, $1  }
0x3b: {  	_ =	sdelay $0x3  }
0x3c: {  	s21 =	simm.s32 $0x0  }
0x3d: {  	s22 =	sand.u32 $0x1800, s21;
	s23 =	sand.u32 $0x380, s21  }
0x3e: {  	s19 =	sand.u32 $0x1, s15;
	s23 =	sor.u32 s23, s22  }
0x3f: {  	_ =	swait.ge [sflag:s5], $0x2000;
	s20 =	sshll.u32 s19, $0xD;
	s22 =	sand.u32 $0x1B00, s23  }
0x40: {  	[sflag:s5] =	ssyncset.done $0x0;
	s21 =	sand.u32 $0x80, s21;
	s22 =	sadd.s32 s22, s20  }
0x41: {  	[sflag:s5] =	ssyncadd.s32 $0xFFFFE000;
	s25 =	sadd.s32 s21, s22  }
0x42: {  	v4 =	vld [tilespmem:s25+$0x400]  }
0x43: {  	s24 =	simm.s32 $0x1;
	v5 =	vld [tilespmem:s25+$0x0]  }
0x44: {  	s24 =	simm.s32 @!p0 $0x0;
	v6 =	vld [tilespmem:s25+$0x10]  }
0x45: {  	v0 =	vmov s20;
	s31 =	smul.u32 $0x8400, s24;
	v7 =	vld [tilespmem:s25+$0x20]  }
0x46: {  	v9 =	vld [tilespmem:s25+$0x30]  }
0x47: {  	s21 =	sshrl.u32 s31, $0x2;
	v10 =	vld [tilespmem:s25+$0x40]  }
0x48: {  	s21 =	sor.u32 $0x4000, s21;
	v11 =	vld [tilespmem:s25+$0x50]  }
0x49: {  	v8 =	vld [tilespmem:s25+$0x60];
	s22 =	sadd.s32 $0x0, s21  }
0x4a: {  	v1 =	vld.idx.msk [tilespmem:v0+s23+$0x410 ss:$0x1], $0xffff;
	[tilespmem:s22+$0x1080 ss:$0x21] =	vst.msk $0xffff, v4  }
0x4b: {  	v2 =	vld.idx.msk [tilespmem:v0+s23+$0x420 ss:$0x1], $0xffff;
	[tilespmem:s22+$0x0 ss:$0x21] =	vst.msk $0xffff, v5  }
0x4c: {  	v3 =	vld.idx.msk [tilespmem:v0+s23+$0x430 ss:$0x1], $0xffff;
	[tilespmem:s22+$0x210 ss:$0x21] =	vst.msk $0xffff, v6  }
0x4d: {  	s19 =	smul.u32 $0x8400, s19;
	[tilespmem:s22+$0x420 ss:$0x21] =	vst.msk $0xffff, v7;
	v7 =	vld [tilespmem:s25+$0x70]  }
0x4e: {  	s26 =	simm.s32 $0x80;
	s27 =	simm.s32 $0x8;
	[tilespmem:s22+$0x630 ss:$0x21] =	vst.msk $0xffff, v9;
	v4 =	vld.idx.msk [tilespmem:v0+s23+$0x440 ss:$0x1], $0xffff  }
0x4f: {  	s29 =	sand.u32 $0x380, s26;
	s19 =	sshrl.u32 s19, $0x2;
	[tilespmem:s22+$0x840 ss:$0x21] =	vst.msk $0xffff, v10;
	v5 =	vld.idx.msk [tilespmem:v0+s23+$0x450 ss:$0x1], $0xffff;
	s25 =	simm.s32 $0x100  }
0x50: {  	s24 =	simm.s32 $0x4;
	s19 =	sor.u32 $0x4000, s19;
	[tilespmem:s22+$0xA50 ss:$0x21] =	vst.msk $0xffff, v11;
	v6 =	vld.idx.msk [tilespmem:v0+s23+$0x460 ss:$0x1], $0xffff;
	s28 =	sand.u32 $0x1800, s25  }
.LBB1_3:
0x51: {  	p1 =	sne.s32 s27, $0x7C;
	[tilespmem:s22+$0xC60 ss:$0x21] =	vst.msk $0xffff, v8;
	v8 =	vld.idx.msk [tilespmem:v0+s23+$0x470 ss:$0x1], $0xffff;
	s23 =	sor.u32 s29, s28  }
0x52: {  	s28 =	sand.u32 $0x1B00, s23;
	v9 =	vld.idx.msk [tilespmem:v0+s23+$0x410 ss:$0x1], $0xffff;
	[tilespmem:s22+$0xE70 ss:$0x21] =	vst.msk $0xffff, v7  }
0x53: {  	s29 =	sand.u32 $0x80, s26;
	s28 =	sadd.s32 s28, s20;
	v7 =	vld.idx.msk [tilespmem:v0+s23+$0x420 ss:$0x1], $0xffff;
	[tilespmem:s22+$0x1290 ss:$0x21] =	vst.msk $0xffff, v1  }
0x54: {  	s28 =	sadd.s32 s29, s28;
	v10 =	vld.idx.msk [tilespmem:v0+s23+$0x430 ss:$0x1], $0xffff;
	[tilespmem:s22+$0x14A0 ss:$0x21] =	vst.msk $0xffff, v2  }
0x55: {  	v11 =	vld [tilespmem:s28+$0x400];
	[tilespmem:s22+$0x16B0 ss:$0x21] =	vst.msk $0xffff, v3  }
0x56: {  	v12 =	vld [tilespmem:s28+$0x0];
	[tilespmem:s22+$0x18C0 ss:$0x21] =	vst.msk $0xffff, v4  }
0x57: {  	v4 =	vld [tilespmem:s28+$0x10];
	[tilespmem:s22+$0x1AD0 ss:$0x21] =	vst.msk $0xffff, v5  }
0x58: {  	s29 =	sshra.s32 s24, $0x2;
	s24 =	smov.u32 s27;
	v1 =	vmov v9;
	v5 =	vld [tilespmem:s28+$0x20];
	[tilespmem:s22+$0x1CE0 ss:$0x21] =	vst.msk $0xffff, v6  }
0x59: {  	v2 =	vmov v7;
	v6 =	vld [tilespmem:s28+$0x30];
	[tilespmem:s22+$0x1EF0 ss:$0x21] =	vst.msk $0xffff, v8;
	s22 =	sadd.s32 s29, s21  }
0x5a: {  	v3 =	vmov v10;
	v9 =	vld [tilespmem:s28+$0x40];
	[tilespmem:s22+$0x1080 ss:$0x21] =	vst.msk $0xffff, v11  }
0x5b: {  	[tilespmem:s22+$0x0 ss:$0x21] =	vst.msk $0xffff, v12;
	v10 =	vld [tilespmem:s28+$0x50]  }
.Ltmp3:
0x5c: {  	[tilespmem:s22+$0x210 ss:$0x21] =	vst.msk $0xffff, v4;
	v8 =	vld [tilespmem:s28+$0x60];
	(pc) =	sbr.rel @p1 .LBB1_3-.Ltmp3, $4  }
0x5d: {  	[tilespmem:s22+$0x420 ss:$0x21] =	vst.msk $0xffff, v5;
	v7 =	vld [tilespmem:s28+$0x70]  }
0x5e: {  	[tilespmem:s22+$0x630 ss:$0x21] =	vst.msk $0xffff, v6;
	v4 =	vld.idx.msk [tilespmem:v0+s23+$0x440 ss:$0x1], $0xffff  }
0x5f: {  	s26 =	sadd.s32 $0x80, s26;
	s25 =	sadd.s32 $0x100, s25;
	[tilespmem:s22+$0x840 ss:$0x21] =	vst.msk $0xffff, v9;
	v5 =	vld.idx.msk [tilespmem:v0+s23+$0x450 ss:$0x1], $0xffff  }
0x60: {  	s27 =	sadd.s32 $0x4, s27;
	s29 =	sand.u32 $0x380, s26;
	s28 =	sand.u32 $0x1800, s25;
	[tilespmem:s22+$0xA50 ss:$0x21] =	vst.msk $0xffff, v10;
	v6 =	vld.idx.msk [tilespmem:v0+s23+$0x460 ss:$0x1], $0xffff  }
0x61: {  	_ =	sdelay $0x3  }
0x62: {  	s25 =	sor.u32 s29, s28;
	v47 =	vld.idx.msk [tilespmem:v0+s23+$0x470 ss:$0x1], $0xffff  }
0x63: {  	[tilespmem:s22+$0xC60 ss:$0x21] =	vst.msk $0xffff, v8;
	v57 =	vld.idx.msk [tilespmem:v0+s25+$0x410 ss:$0x1], $0xffff  }
0x64: {  	[tilespmem:s22+$0x1290 ss:$0x21] =	vst.msk $0xffff, v1;
	v58 =	vld.idx.msk [tilespmem:v0+s25+$0x420 ss:$0x1], $0xffff  }
0x65: {  	[tilespmem:s22+$0x14A0 ss:$0x21] =	vst.msk $0xffff, v2;
	v59 =	vld.idx.msk [tilespmem:v0+s25+$0x430 ss:$0x1], $0xffff  }
0x66: {  	[tilespmem:s22+$0x16B0 ss:$0x21] =	vst.msk $0xffff, v3;
	v60 =	vld.idx.msk [tilespmem:v0+s25+$0x440 ss:$0x1], $0xffff  }
0x67: {  	s26 =	sand.u32 $0x80, s26;
	s27 =	sand.u32 $0x1B00, s25;
	[tilespmem:s22+$0xE70 ss:$0x21] =	vst.msk $0xffff, v7;
	v61 =	vld.idx.msk [tilespmem:v0+s25+$0x450 ss:$0x1], $0xffff  }
0x68: {  	s29 =	sshll.u32 s10, $0x3;
	s24 =	sshra.s32 s24, $0x2;
	v62 =	vld.idx.msk [tilespmem:v0+s25+$0x460 ss:$0x1], $0xffff;
	s20 =	sadd.s32 s27, s20;
	[tilespmem:s22+$0x18C0 ss:$0x21] =	vst.msk $0xffff, v4  }
0x69: {  	p1 =	sgt.s32 s11, $0xF;
	s31 =	sand.u32 $0xFFFFFC00, s29;
	v63 =	vld.idx.msk [tilespmem:v0+s25+$0x470 ss:$0x1], $0xffff;
	s23 =	sadd.s32 s26, s20;
	[tilespmem:s22+$0x1AD0 ss:$0x21] =	vst.msk $0xffff, v5  }
0x6a: {  	p2 =	sgt.s32 s10, $0x60;
	s29 =	sshra.s32 s11, $0x1F;
	s25 =	smul.u32 $0x186A00, s11;
	v48 =	vld [tilespmem:s23+$0x400];
	[tilespmem:s22+$0x1CE0 ss:$0x21] =	vst.msk $0xffff, v6  }
0x6b: {  	s26 =	sshll.u32 s9, $0x7;
	s20 =	sadd.s32 s24, s21;
	s24 =	sand.u32 s29, s11;
	v49 =	vld [tilespmem:s23+$0x0];
	[tilespmem:s22+$0x1EF0 ss:$0x21] =	vst.msk $0xffff, v47  }
0x6c: {  	s29 =	sshra.s32 s9, $0x1F;
	v50 =	vld [tilespmem:s23+$0x10];
	s30 =	sand.u32 $0xFFFFFC00, s26;
	s28 =	sand.u32 $0x380, s26;
	[tilespmem:s20+$0x1290 ss:$0x21] =	vst.msk $0xffff, v57  }
0x6d: {  	v51 =	vld [tilespmem:s23+$0x20];
	s27 =	sadd.s32 s31, s30;
	s22 =	smov.u32 s11;
	s31 =	sshra.s32 s10, $0x1F;
	[tilespmem:s20+$0x14A0 ss:$0x21] =	vst.msk $0xffff, v58  }
0x6e: {  	v52 =	vld [tilespmem:s23+$0x30];
	s21 =	sor.u32 s28, s27;
	s22 =	simm.s32 @!p1 $0xF;
	s28 =	sand.u32 s31, s10;
	[tilespmem:s20+$0x16B0 ss:$0x21] =	vst.msk $0xffff, v59  }
0x6f: {  	v53 =	vld [tilespmem:s23+$0x40];
	s27 =	smov.u32 s9;
	[tilespmem:s20+$0x18C0 ss:$0x21] =	vst.msk $0xffff, v60;
	s21 =	sshrl.u32 s21, $0x7;
	s22 =	ssub.s32 s22, s24  }
0x70: {  	v54 =	vld [tilespmem:s23+$0x50];
	[tilespmem:s20+$0x1AD0 ss:$0x21] =	vst.msk $0xffff, v61;
	s24 =	smov.u32 s10;
	s26 =	smulhi.u32 $0x14F8B59, s21;
	s30 =	sadd.s32 $0xFFFFFFF1, s22  }
0x71: {  	v55 =	vld [tilespmem:s23+$0x60];
	[tilespmem:s20+$0x1CE0 ss:$0x21] =	vst.msk $0xffff, v62;
	s24 =	simm.s32 @!p2 $0x60;
	p2 =	sgt.s32 s9, $0x185A0;
	s22 =	ssub.s32 $0x10, s22  }
0x72: {  	v56 =	vld [tilespmem:s23+$0x70];
	[tilespmem:s20+$0x1EF0 ss:$0x21] =	vst.msk $0xffff, v63;
	p1 =	sgt.s32 s30, $0x0;
	s23 =	ssub.s32 s24, s28;
	s27 =	simm.s32 @!p2 $0x185A0  }
0x73: {  	[tilespmem:s20+$0x1080 ss:$0x21] =	vst.msk $0xffff, v48;
	s24 =	sand.u32 s29, s9;
	s28 =	sand.u32 $0x7, s10;
	s26 =	sshrl.u32 s26, $0x9  }
0x74: {  	[tilespmem:s20+$0x0 ss:$0x21] =	vst.msk $0xffff, v49;
	s24 =	ssub.s32 s27, s24;
	s30 =	sadd.s32 $0xFFFFFFA0, s23;
	s22 =	simm.s32 @p1 $0x0  }
0x75: {  	[tilespmem:s20+$0x210 ss:$0x21] =	vst.msk $0xffff, v50;
	s23 =	ssub.s32 $0x80, s23;
	s27 =	sshrl.u32 s10, $0x3;
	p1 =	sgt.s32 s30, $0x1F  }
0x76: {  	[tilespmem:s20+$0x420 ss:$0x21] =	vst.msk $0xffff, v51;
	s26 =	smul.u32 $0x186A0, s26;
	s31 =	sadd.s32 $0xFFFE7A60, s24;
	s23 =	simm.s32 @p1 $0x0  }
0x77: {  	[tilespmem:s20+$0x630 ss:$0x21] =	vst.msk $0xffff, v52;
	s24 =	ssub.s32 $0x186A0, s24;
	p1 =	sgt.s32 s31, $0xFF;
	s22 =	smul.u32 s22, s23  }
.Ltmp4:
0x78: {  	[tilespmem:s20+$0x840 ss:$0x21] =	vst.msk $0xffff, v53;
	s24 =	simm.s32 @p1 $0x0;
	s21 =	ssub.s32 s21, s26;
	(pc) =	sbr.rel .LBB1_5-.Ltmp4, $4  }
0x79: {  	[tilespmem:s20+$0xA50 ss:$0x21] =	vst.msk $0xffff, v54;
	s23 =	sadd.s32 s3, s25;
	s22 =	smul.u32 s24, s22;
	s24 =	sand.u32 $0xF, s27  }
0x7a: {  	[tilespmem:s20+$0xC60 ss:$0x21] =	vst.msk $0xffff, v55;
	s29 =	sshll.u32 s28, $0x12;
	s21 =	sshll.u32 s21, $0x4;
	s23 =	sadd.s32 s24, s23  }
0x7b: {  	[tilespmem:s20+$0xE70 ss:$0x21] =	vst.msk $0xffff, v56;
	s31 =	sor.u32 $0x20, s29;
	s30 =	sand.u32 $0x3FFFFFFF, s22;
	s21 =	sadd.s32 s21, s23  }
0x7c: {  	[hbm4b:s21+s31] =	stream.strided.scatter [tilespmem:s19], [sflag:$0x2], s30, s8, s31, $0x10;
	[tilespmem:$0x8200] =	vst v63  }
.LBB1_6:
0x7d: {  	_ =	sfence.sel $0x180000  }
0x7e: {  	s2 =	simm.s32 $0x1;
	[bflag:$0x0] =	sbarrier.arrive $0xFFFF  }
0x7f: {  	s31 =	simm.s32 $0x2;
	[sflag:s2] =	ssyncpa.u1 $0x1  }
0x80: {  	[sflag:s31] =	ssyncpa.u1 $0x1  }
0x81: {  	p0 =	sne.s32 s1, $0x0;
	_ =	strace $0x9000004A  }
0x82: {  	s0 =	sadd.s32 @!p0 $0x100000, s0;
	[bflag:$0x2] =	sbarrier.arrive $0xFFFF  }
0x83: {  	[sflag:s0] =	ssyncadd.tile.s32 @!p0 $0x1;
	_ =	shalt  }
.Lfunc_end1:
_tile_overlayer_lowered:
.L_overlay_start_2:
0x84: {  	(tag) =	ssettag $0x2  }
0x85: {  	s0 =	rddreg [dreg:$0x0];
	s2 =	stileid.u32  }
0x86: {  	s1 =	rddreg [dreg:$0x1];
	p0 =	sne.s32 s2, $0x0  }
0x87: {  	s3 =	rddreg [dreg:$0x2];
	[bflag:$0x3] =	sbarrier.arrive $0xFFFF;
	s2 =	simm.s32 @!p0 $0x1C01  }
0x88: {  	[timem:s3], [sflag:s2] =	dma.local @!p0 [hbm:s0], s1  }
0x89: {  	s0 =	simm.s32 @!p0 $0x1  }
0x8a: {  	_ =	swait.ge @!p0 [sflag:s0], s1  }
0x8b: {  	s1 =	ssub.s32 @!p0 $0x0, s1;
	[sflag:s0] =	ssyncset.done @!p0 $0x0  }
0x8c: {  	[sflag:s0] =	ssyncadd.s32 @!p0 s1  }
0x8d: {  	[bflag:$0x3] =	sbarrier.arrive $0xFFFF  }
0x8e: {  	_ =	shalt  }

// kernel: sparse-core-data-format-call.cloned.1.call-start
scs
called_computation_lowered:
.L_overlay_start_0:
0x0: {  	s2 =	sld [smem:$0x3FD9]  }
0x1: {  	s3 =	sld [smem:$0x3FFE];
	_ =	sdelay $0x1  }
0x2: {  	s1 =	srdreg.scid  }
0x3: {  	s0 =	sand.u32 $0x1, s1  }
0x4: {  	s18 =	sshll.u32 s0, $0xA;
	s2 =	sadd.s32 s3, s2  }
0x5: {  	s2 =	sadd.s32 s2, s18  }
0x6: {  	[smem:$0x3FC1] =	sst s2  }
0x7: {  	_ = 	snop  }
0x8: {  	s2 =	sld [smem:$0x3FD0];
	(tm) =	ssettm $0x1  }
0x9: {  	s19 =	sld [smem:$0x3FFB];
	_ =	sdelay $0x3  }
0xa: {  	_ =	strace s19  }
0xb: {  	s3 =	sld [smem:$0x3FFC];
	_ =	sdelay $0x3  }
0xc: {  	_ =	strace s3  }
0xd: {  	s3 =	sld [smem:$0x3FFD];
	_ =	sdelay $0x3  }
0xe: {  	_ =	strace s3  }
0xf: {  	_ =	strace $0x8FFFFFFF  }
0x10: {  	s20 =	sld [smem:$0x3FDB];
	_ =	sdelay $0x1  }
0x11: {  	s4 =	simm.s32 $_scs_section_size  }
0x12: {  	s5 =	simm.s32 $_size__tile_overlayer_lowered;
	s6 =	simm.s32 $_tile_overlayer_lowered  }
0x13: {  	s23 =	simm.s32 $0x1BFF;
	s22 =	sshll.u32 s6, $0x1;
	s3 =	sadd.s32 s4, s20  }
0x14: {  	s7 =	simm.s32 $0x0;
	s21 =	sshll.u32 s5, $0x1;
	s5 =	sadd.s32 s22, s3  }
0x15: {  	[timem:s7], [sflag:s23] =	dma.local [hbm:s5], s21  }
0x16: {  	_ =	swait.ge [sflag:s23], s21  }
0x17: {  	s4 =	ssub.s32 $0x0, s21;
	[sflag:s23] =	ssyncset.done $0x0  }
0x18: {  	[sflag:s23] =	ssyncadd.s32 s4;
	_ =	sdelay $0x1  }
0x19: {  	s24 =	simm.s32 $0x1B8B  }
0x1a: {  	_ =	swait.ge [sflag:s24], $0x1  }
0x1b: {  	[sflag:s24] =	ssyncset.done $0x0  }
0x1c: {  	s26 =	simm.s32 $0x1B8E;
	s25 =	sld [smem:$0x3FFE];
	[sflag:s24] =	ssyncadd.s32 $0xFFFFFFFF  }
0x1d: {  	s27 =	simm.s32 $execute0_lowered;
	[smem:$0x3FD2] =	sst s26  }
0x1e: {  	s5 =	sshll.u32 s27, $0x1;
	_ =	strace $0x80000052;
	[dreg:$0x1] =	wrdreg $0xFFFFFFFF  }
0x1f: {  	s28 =	simm.s32 $_size_execute0_lowered;
	s3 =	sadd.s32 s3, s5;
	[dreg:$0x0] =	wrdreg $0x0  }
0x20: {  	s5 =	sshll.u32 s28, $0x1;
	[dreg:$0x2] =	wrdreg s3  }
0x21: {  	[dreg:$0x3] =	wrdreg s5  }
0x22: {  	[dreg:$0x4] =	wrdreg $0xC0  }
0x23: {  	_ =	task [dreg:s7], $0x5FFFF  }
0x24: {  	[dreg:$0x1] =	wrdreg $0xFFFFFFFF  }
0x25: {  	[dreg:$0x0] =	wrdreg $0x60  }
0x26: {  	[dreg:$0x2] =	wrdreg s25  }
0x27: {  	[dreg:$0x3] =	wrdreg s2  }
0x28: {  	[dreg:$0x4] =	wrdreg $0x9  }
0x29: {  	_ =	task.clear_ibuf [dreg:s7], $0x5FFFF;
	_ =	strace $0x90000052  }
0x2a: {  	s29 =	simm.s32 $0x9;
	_ =	strace $0x80000054  }
0x2b: {  	_ =	swait.ge [sflag:s29], $0x1  }
0x2c: {  	[sflag:s29] =	ssyncadd.s32 $0xFFFFFFFF  }
0x2d: {  	_ =	strace $0x90000054  }
0x2e: {  	_ =	sfence  }
0x2f: {  	s30 =	sld [smem:$0x0];
	_ =	sdelay $0x2  }
0x30: {  	s31 =	sshll.u32 s1, $0xD;
	s1 =	sshrl.u32 s1, $0x2  }
0x31: {  	s3 =	sand.u32 $0x4000, s31;
	s1 =	sadd.s32 s1, s30  }
0x32: {  	s0 =	sor.u32 s3, s0;
	s1 =	sshll.u32 s1, $0x11  }
0x33: {  	s0 =	sor.u32 s1, s0  }
0x34: {  	s0 =	sadd.s32 $0x8F2B, s0  }
0x35: {  	[sflag:s0] =	ssyncadd.remote.s32 $0x1  }
0x36: {  	_ =	sfence.sel $0xFFFF  }
0x37: {  	[dreg:$0x0] =	wrdreg $0xFFFFFFFF;
	(pc) =	sbr.abs _section_cstart, $3  }
0x38: {  	[dreg:$0x1] =	wrdreg $0xFFFFFFFF  }
0x39: {  	_ =	task.clear_ibuf [dreg:s7], $0x2FFFF;
	_ =	strace $0x9FFFFFFF  }
0x3a: {  	(tm) =	ssettm $0x7FFFFFFF  }
0x3b: {  	_ =	shalt  }
tec
execute0_lowered:
.L_overlay_start_1:
0x0: {  	(tag) =	ssettag $0x1  }
0x1: {  	s0 =	srdreg.scid  }
0x2: {  	s1 =	sshll.u32 s0, $0x4  }
0x3: {  	s0 =	stileid.u32;
	s1 =	sand.u32 $0x10, s1  }
0x4: {  	s6 =	rddreg [dreg:$0x0];
	s1 =	sor.u32 s0, s1  }
0x5: {  	s4 =	simm.s32 $0x1;
	s7 =	simm.s32 $0x2;
	s2 =	sshll.u32 s1, $0x5  }
0x6: {  	s14 =	simm.s32 $0x0;
	s8 =	simm.s32 $0x1000;
	s1 =	ssub.s32 $0x1000, s2  }
0x7: {  	s9 =	simm.s32 $0x80000;
	s10 =	simm.s32 $0x0;
	s3 =	sand.u32 $0x3E0, s1  }
0x8: {  	s15 =	simm.s32 $0x0;
	s5 =	sshrl.u32 s1, $0xA;
	p0 =	sne.s32 s3, $0x0  }
.Ltmp0:
0x9: {  	s1 =	rddreg [dreg:$0x2];
	s4 =	simm.s32 @!p0 $0x0;
	(pc) =	sbr.rel .LBB1_1-.Ltmp0, $4  }
0xa: {  	s11 =	simm.s32 $0x0;
	s3 =	rddreg [dreg:$0x1];
	s5 =	sadd.s32 s4, s5  }
0xb: {  	_ =	strace $0x80000053;
	s4 =	simm.s32 $0x1;
	s5 =	smul.u32 $0x5, s5  }
0xc: {  	s13 =	simm.s32 $0x0;
	s6 =	sadd.s32 $0x2E00, s6;
	[sflag:s4] =	ssyncpa.u1 $0x0  }
0xd: {  	s12 =	smov.u32 s2;
	[sflag:s7] =	ssyncpa.u1 $0x0;
	s7 =	sadd.s32 $0x1, s5  }
.LBB1_7:
0xe: {  	s16 =	sadd.s32 $0x4, s11  }
0xf: {  	s14 =	sadd.s32 $0x400, s12;
	s18 =	smov.u32 s12;
	p1 =	sgt.s32 s16, $0x13  }
0x10: {  	s18 =	smov.u32 @p1 s14  }
0x11: {  	s16 =	simm.s32 @p1 $0x0;
	p1 =	sgt.s32 s18, $0xFFF  }
0x12: {  	s18 =	smov.u32 @p1 s2;
	p1 =	sne.s32 s13, s7  }
.Ltmp1:
0x13: {  	p0 =	slt.u32 s13, $0x2;
	(pc) =	sbr.rel @!p1 .LBB1_8-.Ltmp1, $4  }
0x14: {  	s17 =	simm.s32 @!p0 $0x2  }
0x15: {  	s15 =	smov.u32 s12;
	s10 =	sadd.s32 $0x4000, s10;
	_ =	swait.ge @!p0 [sflag:s17], $0x4000  }
0x16: {  	s14 =	smov.u32 s11;
	[sflag:s17] =	ssyncset.done @!p0 $0x0;
	s11 =	smov.u32 s16  }
0x17: {  	s13 =	sadd.s32 $0x1, s13;
	[sflag:s17] =	ssyncadd.s32 @!p0 $0xFFFFC000;
	s12 =	smov.u32 s18  }
.LBB1_1:
0x18: {  	p0 =	sge.u32 s13, s5  }
0x19: {  	s16 =	sand.u32 @!p0 $0x1FFFFFF, s11  }
0x1a: {  	s17 =	smulhi.u32 @!p0 $0xAAAAAAB, s16;
	_ =	sdelay $0x1  }
0x1b: {  	s17 =	smul.u32 @!p0 $0x18, s17  }
0x1c: {  	s18 =	sxor.u32 @!p0 $0xFFFFFFFF, s13;
	s19 =	smul.u32 @!p0 $0x180, s12  }
0x1d: {  	s31 =	sadd.s32 $0xFFFFFFFF, s13;
	s18 =	sshll.u32 @!p0 s18, $0xE;
	s16 =	ssub.s32 @!p0 s16, s17  }
0x1e: {  	s17 =	sand.u32 @!p0 $0x4000, s18;
	s18 =	sadd.s32 @!p0 s6, s19;
	s16 =	sshll.u32 @!p0 s16, $0x4  }
0x1f: {  	s19 =	simm.s32 @!p0 $0xC00;
	s16 =	sadd.s32 @!p0 s16, s18;
	s18 =	simm.s32 @!p0 $0x200  }
0x20: {  	[tilespmem:s17], [sflag:$0x1] =	stream.strided.gather @!p0 [hbm4b:s16+s18], $0x4000, s19, s18, $0x38;
	[tilespmem:$0x10000] =	vst v63  }
0x21: {  	p0 =	sge.u32 s31, s5  }
.Ltmp2:
0x22: {  	_ = 	snop;
	(pc) =	sbr.rel @p0 .LBB1_7-.Ltmp2, $1  }
0x23: {  	_ =	sdelay $0x3  }
0x24: {  	s17 =	sand.u32 $0x4000, s10  }
0x25: {  	_ =	swait.ge [sflag:s4], $0x4000;
	s19 =	sshll.u32 s13, $0xE;
	s16 =	sor.u32 $0x8040, s17  }
0x26: {  	s18 =	sor.u32 $0x40, s17;
	[sflag:s4] =	ssyncset.done $0x0;
	s31 =	sand.u32 $0x4000, s19  }
0x27: {  	s19 =	simm.s32 $0x0;
	[sflag:s4] =	ssyncadd.s32 $0xFFFFC000;
	s17 =	sor.u32 $0x8000, s31  }
.LBB1_3:
0x28: {  	v0 =	vmov s18;
	_ =	sdelay $0x3  }
0x29: {  	s21 =	simm.s32 $0x0  }
0x2a: {  	v6 =	vld.idx.msk [tilespmem:v0+s21+$0x30 ss:$0x1], $0xffff  }
0x2b: {  	v7 =	vld.idx.msk [tilespmem:v0+s21+$0xFFFFFFC0 ss:$0x1], $0xffff  }
0x2c: {  	v5 =	vld.idx.msk [tilespmem:v0+s21+$0xFFFFFFD0 ss:$0x1], $0xffff  }
0x2d: {  	v4 =	vld.idx.msk [tilespmem:v0+s21+$0xFFFFFFE0 ss:$0x1], $0xffff  }
0x2e: {  	v3 =	vld.idx.msk [tilespmem:v0+s21+$0xFFFFFFF0 ss:$0x1], $0xffff  }
0x2f: {  	v1 =	vld.idx.msk [tilespmem:v0+s21+$0x0 ss:$0x1], $0xffff  }
0x30: {  	v2 =	vld.idx.msk [tilespmem:v0+s21+$0x10 ss:$0x1], $0xffff;
	[tilespmem:s16+$0x30] =	vst v6  }
0x31: {  	s20 =	simm.s32 $0x80;
	s22 =	simm.s32 $0x400;
	[tilespmem:s16+$0xFFFFFFC0] =	vst v7;
	v6 =	vld.idx.msk [tilespmem:v0+s21+$0x20 ss:$0x1], $0xffff;
	s21 =	smov.u32 s16  }
.LBB1_4:
0x32: {  	p0 =	sne.s32 s22, $0x600;
	v7 =	vld.idx.msk [tilespmem:v0+s20+$0x30 ss:$0x1], $0xffff;
	[tilespmem:s21+$0xFFFFFFD0] =	vst v5  }
0x33: {  	v8 =	vld.idx.msk [tilespmem:v0+s20+$0xFFFFFFC0 ss:$0x1], $0xffff;
	[tilespmem:s21+$0xFFFFFFE0] =	vst v4  }
0x34: {  	v5 =	vld.idx.msk [tilespmem:v0+s20+$0xFFFFFFD0 ss:$0x1], $0xffff;
	[tilespmem:s21+$0xFFFFFFF0] =	vst v3  }
.Ltmp3:
0x35: {  	v4 =	vld.idx.msk [tilespmem:v0+s20+$0xFFFFFFE0 ss:$0x1], $0xffff;
	[tilespmem:s21+$0x0] =	vst v1;
	(pc) =	sbr.rel @p0 .LBB1_4-.Ltmp3, $4  }
0x36: {  	v3 =	vld.idx.msk [tilespmem:v0+s20+$0xFFFFFFF0 ss:$0x1], $0xffff;
	[tilespmem:s21+$0x10] =	vst v2  }
0x37: {  	v1 =	vld.idx.msk [tilespmem:v0+s20+$0x0 ss:$0x1], $0xffff;
	[tilespmem:s21+$0x20] =	vst v6;
	s21 =	sadd.s32 $0x1000, s21  }
0x38: {  	v2 =	vld.idx.msk [tilespmem:v0+s20+$0x10 ss:$0x1], $0xffff;
	[tilespmem:s21+$0x30] =	vst v7  }
0x39: {  	[tilespmem:s21+$0xFFFFFFC0] =	vst v8;
	v6 =	vld.idx.msk [tilespmem:v0+s20+$0x20 ss:$0x1], $0xffff;
	s20 =	sshra.s32 s22, $0x2;
	s22 =	sadd.s32 $0x200, s22  }
0x3a: {  	_ =	sdelay $0x2  }
0x3b: {  	[tilespmem:s21+$0xFFFFFFD0] =	vst v5  }
0x3c: {  	v56 =	vld.idx.msk [tilespmem:v0+s20+$0x30 ss:$0x1], $0xffff;
	[tilespmem:s21+$0xFFFFFFE0] =	vst v4  }
0x3d: {  	v57 =	vld.idx.msk [tilespmem:v0+s20+$0xFFFFFFC0 ss:$0x1], $0xffff;
	[tilespmem:s21+$0xFFFFFFF0] =	vst v3  }
0x3e: {  	v58 =	vld.idx.msk [tilespmem:v0+s20+$0xFFFFFFD0 ss:$0x1], $0xffff;
	[tilespmem:s21+$0x0] =	vst v1  }
0x3f: {  	v59 =	vld.idx.msk [tilespmem:v0+s20+$0xFFFFFFE0 ss:$0x1], $0xffff;
	[tilespmem:s21+$0x10] =	vst v2  }
0x40: {  	v60 =	vld.idx.msk [tilespmem:v0+s20+$0xFFFFFFF0 ss:$0x1], $0xffff;
	s31 =	sadd.s32 $0x1000, s21;
	[tilespmem:s21+$0x20] =	vst v6  }
0x41: {  	v61 =	vld.idx.msk [tilespmem:v0+s20+$0x0 ss:$0x1], $0xffff;
	[tilespmem:s31+$0x30] =	vst v56  }
0x42: {  	v62 =	vld.idx.msk [tilespmem:v0+s20+$0x10 ss:$0x1], $0xffff;
	s19 =	sadd.s32 $0x1, s19;
	[tilespmem:s31+$0xFFFFFFC0] =	vst v57  }
0x43: {  	v63 =	vld.idx.msk [tilespmem:v0+s20+$0x20 ss:$0x1], $0xffff;
	p0 =	sne.s32 s19, $0x20;
	[tilespmem:s31+$0xFFFFFFD0] =	vst v58  }
.Ltmp4:
0x44: {  	[tilespmem:s31+$0xFFFFFFE0] =	vst v59;
	(pc) =	sbr.rel @p0 .LBB1_3-.Ltmp4, $4  }
0x45: {  	[tilespmem:s31+$0xFFFFFFF0] =	vst v60  }
0x46: {  	[tilespmem:s31+$0x0] =	vst v61  }
0x47: {  	[tilespmem:s31+$0x10] =	vst v62  }
0x48: {  	s16 =	sadd.s32 $0x80, s16;
	s18 =	sadd.s32 $0x200, s18;
	[tilespmem:s31+$0x20] =	vst v63  }
.Ltmp5:
0x49: {  	s15 =	sshll.u32 s15, $0x4;
	(pc) =	sbr.rel .LBB1_7-.Ltmp5, $4  }
0x4a: {  	s15 =	sand.u32 $0xFFF0, s15  }
0x4b: {  	s14 =	sshll.u32 s14, $0x10;
	s15 =	sadd.s32 s3, s15  }
0x4c: {  	s14 =	sadd.s32 s14, s15  }
0x4d: {  	[hbm4b:s14+s8] =	stream.strided.scatter [tilespmem:s17], [sflag:$0x2], $0x4000, s9, s8, $0x38;
	[tilespmem:$0x10000] =	vst v63  }
.LBB1_8:
0x4e: {  	_ =	sfence.sel $0x180000  }
0x4f: {  	s2 =	simm.s32 $0x1;
	[bflag:$0x0] =	sbarrier.arrive $0xFFFF  }
0x50: {  	s31 =	simm.s32 $0x2;
	[sflag:s2] =	ssyncpa.u1 $0x1  }
0x51: {  	[sflag:s31] =	ssyncpa.u1 $0x1  }
0x52: {  	p0 =	sne.s32 s0, $0x0;
	_ =	strace $0x90000053  }
0x53: {  	s0 =	sadd.s32 @!p0 $0x100000, s1;
	[bflag:$0x2] =	sbarrier.arrive $0xFFFF  }
0x54: {  	[sflag:s0] =	ssyncadd.tile.s32 @!p0 $0x1;
	_ =	shalt  }
.Lfunc_end1:
_tile_overlayer_lowered:
.L_overlay_start_2:
0x55: {  	(tag) =	ssettag $0x2  }
0x56: {  	s0 =	rddreg [dreg:$0x0];
	s2 =	stileid.u32  }
0x57: {  	s1 =	rddreg [dreg:$0x1];
	p0 =	sne.s32 s2, $0x0  }
0x58: {  	s3 =	rddreg [dreg:$0x2];
	[bflag:$0x3] =	sbarrier.arrive $0xFFFF;
	s2 =	simm.s32 @!p0 $0x1C01  }
0x59: {  	[timem:s3], [sflag:s2] =	dma.local @!p0 [hbm:s0], s1  }
0x5a: {  	s0 =	simm.s32 @!p0 $0x1  }
0x5b: {  	_ =	swait.ge @!p0 [sflag:s0], s1  }
0x5c: {  	s1 =	ssub.s32 @!p0 $0x0, s1;
	[sflag:s0] =	ssyncset.done @!p0 $0x0  }
0x5d: {  	[sflag:s0] =	ssyncadd.s32 @!p0 s1  }
0x5e: {  	[bflag:$0x3] =	sbarrier.arrive $0xFFFF  }
0x5f: {  	_ =	shalt  }

</sc_bundles>
